<compile_context>
chip_gen: v7x
topology: tpu7x:2x2x1
jax: 0.10.2.dev20260603
libtpu: 0.0.44.dev20260713+nightly
codegen_flags: <defaults>
</compile_context>

<pallas_src>
import functools

import jax
import jax.numpy as jnp
from jax import lax
from jax.experimental import pallas as pl
from jax.experimental.pallas import tpu as pltpu
from jax.experimental.pallas import tpu_sc as plsc

_VOCAB = 32000
_B = 16
_M = 8
_MAXL = 2048
_NROWS = _B * _M
_NW = 32
_RPW = _NROWS // _NW
_LANES = 16


def _sc_row_sums(logits, ids, lengths):
    mesh = plsc.VectorSubcoreMesh(core_axis_name="c", subcore_axis_name="s")

    @functools.partial(
        pl.kernel,
        mesh=mesh,
        compiler_params=pltpu.CompilerParams(needs_layout_passes=False),
        out_type=jax.ShapeDtypeStruct((_NROWS, _LANES), jnp.float32),
        scratch_types=[
            pltpu.VMEM((_VOCAB,), jnp.float32),
            pltpu.VMEM((_RPW, _MAXL), jnp.int32),
            pltpu.VMEM((_NROWS,), jnp.int32),
            pltpu.VMEM((_RPW, _LANES), jnp.float32),
            pltpu.VMEM_SHARED((_VOCAB,), jnp.float32),
            pltpu.SemaphoreType.DMA,
        ],
    )
    def body(logits_hbm, ids_hbm, lens_hbm, g_hbm,
             table_v, ids_v, lens_v, gbuf_v, table_sh, sem):
        cid = lax.axis_index("c")
        sid = lax.axis_index("s")
        wid = sid * 2 + cid
        row0 = wid * _RPW

        copies = [
            pltpu.async_copy(ids_hbm.at[pl.ds(row0, _RPW)], ids_v, sem),
            pltpu.async_copy(lens_hbm, lens_v, sem),
        ]

        @pl.when(sid == 0)
        def _stage():
            pltpu.sync_copy(logits_hbm, table_sh)

        plsc.subcore_barrier()
        pltpu.sync_copy(table_sh, table_v)
        for c in copies:
            c.wait()

        iota = lax.iota(jnp.int32, _LANES)
        unroll = 8
        chunk = unroll * _LANES
        for j in range(_RPW):
            len_splat = plsc.load_gather(
                lens_v, [jnp.full((_LANES,), row0 + j, jnp.int32)])
            lenr = jnp.maximum(len_splat[0], 1)
            nchunks = (lenr + chunk - 1) // chunk

            def step(t, acc, j=j, lenr=lenr):
                base = t * chunk
                for u in range(unroll):
                    idv = ids_v[j, pl.ds(base + u * _LANES, _LANES)]
                    g = plsc.load_gather(table_v, [idv])
                    msk = (base + u * _LANES + iota) < lenr
                    acc = acc + jnp.where(msk, g, jnp.zeros_like(g))
                return acc

            acc = lax.fori_loop(0, nchunks, step,
                                jnp.zeros((_LANES,), jnp.float32))
            gbuf_v[j] = acc

        pltpu.sync_copy(gbuf_v, g_hbm.at[pl.ds(row0, _RPW)])

    return body(logits, ids, lengths)


def _tc_finalize(logits2d, g, lens_i):

    def body(lg_ref, g_ref, len_ref, out_ref):
        x = lg_ref[...]
        mx = jnp.max(x)
        lse = mx + jnp.log(jnp.sum(jnp.exp(x - mx)))
        lens = jnp.maximum(len_ref[...], 1).astype(jnp.float32)
        g = jnp.sum(g_ref[...], axis=1).reshape(_B, _M)
        logps = g - lens * lse
        rowmax = jnp.max(logps, axis=1, keepdims=True)
        e = jnp.exp(logps - rowmax)
        attn = e / jnp.sum(e, axis=1, keepdims=True)
        out_ref[0:_B, :] = attn
        out_ref[_B:2 * _B, :] = logps
        out_ref[2 * _B:2 * _B + 1, :] = jnp.broadcast_to(
            jnp.reshape(jnp.sum(-logps * attn / lens) / _NROWS, (1, 1)),
            (1, _M))

    return pl.pallas_call(
        body,
        out_shape=jax.ShapeDtypeStruct((2 * _B + 1, _M), jnp.float32),
    )(logits2d, g, lens_i)


@jax.jit
def _impl(logits, ids, lengths):
    g_raw = _sc_row_sums(logits, ids, lengths)
    logits2d = logits.reshape(250, 128)
    lens_i = lengths.reshape(_B, _M)
    out = _tc_finalize(logits2d, g_raw, lens_i)
    return out[0:_B], out[_B:2 * _B], out[2 * _B, 0]


def kernel(logits, ids, lengths):
    return _impl(logits, ids, lengths)

# --- scband reference (transcript-rebuilt; emitter-appended) ---
"""Pipeline reference for scband-op-tok-66159676227608 (READ-ONLY COPY).

The authoritative reference and input builder live on the scoring server;
editing this copy changes nothing except your own understanding.
"""

import jax, jax.numpy as jnp
import numpy as np

VOCAB = 32000
MINF_PAD = VOCAB
ZERO_PAD = VOCAB + 1
B = 16
M = 8
MAXL = 2048


def setup_inputs(seed: int = 0) -> dict:
    key = jax.random.key(seed)
    k1, k2, k3 = jax.random.split(key, 3)
    logits = jax.random.normal(k1, (VOCAB,), dtype=jnp.float32)
    ids = jax.random.randint(k2, (B * M, MAXL), 0, VOCAB, dtype=jnp.int32)
    lengths = jax.random.randint(k3, (B * M,), 0, MAXL, dtype=jnp.int32)
    return {"logits": logits, "ids": ids, "lengths": lengths}


def reference(logits, ids, lengths):
    # log unigram probs (nlm.getLogUnigramProbs analogue)
    log_theta = jax.nn.log_softmax(logits)
    # pad: minfPaddingIdx -> -inf, zeroPaddingIdx -> 0 (as in __getLogTheta)
    log_theta = jnp.concatenate([log_theta, jnp.array([-jnp.inf, 0.0], dtype=log_theta.dtype)])
    lens = jnp.maximum(lengths, 1)
    # pad each ragged candidate segmentation with zeroPaddingIdx up to maxL
    pos = jnp.arange(MAXL, dtype=jnp.int32)[None, :]
    ids_p = jnp.where(pos < lens[:, None], ids, ZERO_PAD)
    # __calcAttention: gather log probs per token, sum over tokens
    gathered = jnp.take(log_theta, ids_p, axis=0)  # [B*M, MAXL] gather (SparseCore)
    logPs = jnp.sum(gathered, axis=1).reshape(-1, M)  # [B, M]
    attn = jnp.exp(logPs - jax.scipy.special.logsumexp(logPs, axis=1, keepdims=True))
    # __getUnigramLoss with attn detached
    lens_f = lens.astype(jnp.float32).reshape(-1, M)
    weighted = -logPs * jax.lax.stop_gradient(attn)
    uniLoss = jnp.sum(weighted / lens_f) / (B * M)
    return (attn, logPs, uniLoss)

if __name__ == "__main__":
    import jax
    _d = setup_inputs()
    print(jax.jit(kernel)(*tuple(_d.values())))

</pallas_src>

<mosaic_0001>
#map = affine_map<(d0, d1) -> (0)>
#map1 = affine_map<(d0, d1) -> (0, 0)>
module attributes {stable_mosaic.version = 14 : i64} {
  func.func @body(%arg0: i32, %arg1: i32, %arg2: memref<32000xf32, #tpu.memory_space<hbm>>, %arg3: memref<128x2048xi32, #tpu.memory_space<hbm>>, %arg4: memref<128xi32, #tpu.memory_space<hbm>>, %arg5: memref<128x16xf32, #tpu.memory_space<hbm>>, %arg6: memref<32000xf32, #tpu.memory_space<vmem>>, %arg7: memref<4x2048xi32, #tpu.memory_space<vmem>>, %arg8: memref<128xi32, #tpu.memory_space<vmem>>, %arg9: memref<4x16xf32, #tpu.memory_space<vmem>>, %arg10: memref<32000xf32, #tpu.memory_space<vmem_shared>>, %arg11: memref<!tpu.dma_semaphore, #tpu.memory_space<semaphore_mem>>) attributes {dimension_semantics = [#tpu.dimension_semantics<core_parallel>, #tpu.dimension_semantics<subcore_parallel>], iteration_bounds = array<i64: 2, 16>, scalar_prefetch = 0 : i64, scratch_operands = 6 : i64, tpu.core_type = #tpu.core_type<sc_vector_subcore>, window_params = [{transform_indices = #map}, {transform_indices = #map1}, {transform_indices = #map}, {transform_indices = #map1}]} {
    %mul3A = arith.constant 2 : i32
    %mul3A_0 = arith.muli %arg1, %mul3A : i32
    %add3A = arith.addi %mul3A_0, %arg0 : i32
    %mul3A_1 = arith.constant 4 : i32
    %mul3A_2 = arith.muli %add3A, %mul3A_1 : i32
    %dma_start3A = arith.constant 0 : i32
    %dma_start3A_3 = tpu.memref_slice %arg3[%mul3A_2, %dma_start3A] : memref<128x2048xi32, #tpu.memory_space<hbm>> -> memref<4x2048xi32, #tpu.memory_space<hbm>>
    %dma_start3A_4 = arith.constant 0 : i32
    %dma_start3A_5 = tpu.memref_slice %arg3[%mul3A_2, %dma_start3A_4] : memref<128x2048xi32, #tpu.memory_space<hbm>> -> memref<4x2048xi32, #tpu.memory_space<hbm>>
    tpu.enqueue_dma source(%dma_start3A_5 : memref<4x2048xi32, #tpu.memory_space<hbm>>) target(%arg7 : memref<4x2048xi32, #tpu.memory_space<vmem>>) target_semaphore(%arg11 : memref<!tpu.dma_semaphore, #tpu.memory_space<semaphore_mem>>)
    tpu.enqueue_dma source(%arg4 : memref<128xi32, #tpu.memory_space<hbm>>) target(%arg8 : memref<128xi32, #tpu.memory_space<vmem>>) target_semaphore(%arg11 : memref<!tpu.dma_semaphore, #tpu.memory_space<semaphore_mem>>)
    %eq3A = arith.constant 0 : i32
    %eq3A_6 = arith.cmpi eq, %arg1, %eq3A : i32
    %convert_element_type3A = arith.extui %eq3A_6 : i1 to i32
    %cond3A = arith.constant 0 : i32
    %cond3A_7 = arith.cmpi ne, %convert_element_type3A, %cond3A : i32
    scf.if %cond3A_7 {
      "tpu.region"() ({
        %run_scoped3A = tpu.sem_alloc : memref<!tpu.dma_semaphore, #tpu.memory_space<semaphore_mem>>
        tpu.enqueue_dma source(%arg2 : memref<32000xf32, #tpu.memory_space<hbm>>) target(%arg10 : memref<32000xf32, #tpu.memory_space<vmem_shared>>) target_semaphore(%run_scoped3A : memref<!tpu.dma_semaphore, #tpu.memory_space<semaphore_mem>>)
        tpu.wait_dma2 semaphore(%run_scoped3A : memref<!tpu.dma_semaphore, #tpu.memory_space<semaphore_mem>>) src(%arg2 : memref<32000xf32, #tpu.memory_space<hbm>>) dst(%arg10 : memref<32000xf32, #tpu.memory_space<vmem_shared>>)
        tpu.yield
      }) : () -> ()
    } else {
    }
    %barrier3A = arith.constant 0 : index
    tpu.barrier barrier_id(%barrier3A)
    "tpu.region"() ({
      %run_scoped3A = tpu.sem_alloc : memref<!tpu.dma_semaphore, #tpu.memory_space<semaphore_mem>>
      tpu.enqueue_dma source(%arg10 : memref<32000xf32, #tpu.memory_space<vmem_shared>>) target(%arg6 : memref<32000xf32, #tpu.memory_space<vmem>>) target_semaphore(%run_scoped3A : memref<!tpu.dma_semaphore, #tpu.memory_space<semaphore_mem>>)
      tpu.wait_dma2 semaphore(%run_scoped3A : memref<!tpu.dma_semaphore, #tpu.memory_space<semaphore_mem>>) src(%arg10 : memref<32000xf32, #tpu.memory_space<vmem_shared>>) dst(%arg6 : memref<32000xf32, #tpu.memory_space<vmem>>)
      tpu.yield
    }) : () -> ()
    %dma_wait3A = arith.constant 0 : i32
    %dma_wait3A_8 = tpu.memref_slice %arg3[%mul3A_2, %dma_wait3A] : memref<128x2048xi32, #tpu.memory_space<hbm>> -> memref<4x2048xi32, #tpu.memory_space<hbm>>
    %dma_wait3A_9 = arith.constant 0 : i32
    %dma_wait3A_10 = tpu.memref_slice %arg3[%mul3A_2, %dma_wait3A_9] : memref<128x2048xi32, #tpu.memory_space<hbm>> -> memref<4x2048xi32, #tpu.memory_space<hbm>>
    tpu.wait_dma2 semaphore(%arg11 : memref<!tpu.dma_semaphore, #tpu.memory_space<semaphore_mem>>) src(%dma_wait3A_10 : memref<4x2048xi32, #tpu.memory_space<hbm>>) dst(%arg7 : memref<4x2048xi32, #tpu.memory_space<vmem>>)
    tpu.wait_dma2 semaphore(%arg11 : memref<!tpu.dma_semaphore, #tpu.memory_space<semaphore_mem>>) src(%arg4 : memref<128xi32, #tpu.memory_space<hbm>>) dst(%arg8 : memref<128xi32, #tpu.memory_space<vmem>>)
    %iota3A = tpu.iota {dimensions = array<i32: 0>} : vector<16xi32>
    %add3A_11 = arith.constant 0 : i32
    %add3A_12 = arith.addi %mul3A_2, %add3A_11 : i32
    %broadcast_in_dim3A = vector.broadcast %add3A_12 : i32 to vector<16xi32>
    %gather3A = tpu.vector_load_idx %arg8[%broadcast_in_dim3A] : memref<128xi32, #tpu.memory_space<vmem>>[vector<16xi32>], vector<16xi32>,
    %slice3A = vector.extract_strided_slice %gather3A {offsets = [0], sizes = [1], strides = [1]} : vector<16xi32> to vector<1xi32>
    %squeeze3A = vector.extract %slice3A[0] : i32 from vector<1xi32>
    %max3A = arith.constant 1 : i32
    %max3A_13 = arith.maxsi %squeeze3A, %max3A : i32
    %add3A_14 = arith.constant 128 : i32
    %add3A_15 = arith.addi %max3A_13, %add3A_14 : i32
    %sub3A = arith.constant 1 : i32
    %sub3A_16 = arith.subi %add3A_15, %sub3A : i32
    %jit3A = arith.constant 128 : i32
    %div3A = arith.divsi %sub3A_16, %jit3A : i32
    %sign3A = arith.constant 0 : i32
    %sign3A_17 = arith.cmpi sgt, %sub3A_16, %sign3A : i32
    %sign3A_18 = arith.extui %sign3A_17 : i1 to i32
    %sign3A_19 = arith.constant 0 : i32
    %sign3A_20 = arith.cmpi slt, %sub3A_16, %sign3A_19 : i32
    %sign3A_21 = arith.extui %sign3A_20 : i1 to i32
    %sign3A_22 = arith.subi %sign3A_18, %sign3A_21 : i32
    %sign3A_23 = arith.constant 0 : i32
    %sign3A_24 = arith.cmpi sgt, %jit3A, %sign3A_23 : i32
    %sign3A_25 = arith.extui %sign3A_24 : i1 to i32
    %sign3A_26 = arith.constant 0 : i32
    %sign3A_27 = arith.cmpi slt, %jit3A, %sign3A_26 : i32
    %sign3A_28 = arith.extui %sign3A_27 : i1 to i32
    %sign3A_29 = arith.subi %sign3A_25, %sign3A_28 : i32
    %ne3A = arith.cmpi ne, %sign3A_22, %sign3A_29 : i32
    %rem3A = arith.remsi %sub3A_16, %jit3A : i32
    %ne3A_30 = arith.constant 0 : i32
    %ne3A_31 = arith.cmpi ne, %rem3A, %ne3A_30 : i32
    %and3A = arith.andi %ne3A, %ne3A_31 : i1
    %sub3A_32 = arith.constant 1 : i32
    %sub3A_33 = arith.subi %div3A, %sub3A_32 : i32
    %select_n3A = arith.select %and3A, %sub3A_33, %div3A : i32
    %broadcast_in_dim3A_34 = arith.constant 0.000000e+00 : f32
    %broadcast_in_dim3A_35 = vector.broadcast %broadcast_in_dim3A_34 : f32 to vector<16xf32>
    %while3A = arith.constant 0 : i32
    %while3A_36 = arith.subi %select_n3A, %while3A : i32
    %while3A_37 = arith.addi %while3A, %while3A_36 : i32
    %while3A_38 = arith.constant 1 : i32
    %while3A_39 = arith.divsi %while3A_36, %while3A_38 : i32
    %while3A_40 = arith.muli %while3A_39, %while3A_38 : i32
    %while3A_41 = arith.addi %while3A, %while3A_40 : i32
    %while3A_42 = arith.constant 1 : i32
    %while3A_43 = scf.for %while3A_208 = %while3A to %while3A_41 step %while3A_42 iter_args(%while3A_209 = %broadcast_in_dim3A_35) -> (vector<16xf32>)  : i32 {
      %mul3A_210 = arith.constant 128 : i32
      %mul3A_211 = arith.muli %while3A_208, %mul3A_210 : i32
      %add3A_212 = arith.constant 0 : i32
      %add3A_213 = arith.addi %mul3A_211, %add3A_212 : i32
      %get3A = arith.constant 0 : i32
      %get3A_214 = arith.index_cast %get3A : i32 to index
      %get3A_215 = arith.index_cast %add3A_213 : i32 to index
      %get3A_216 = tpu.vector_load %arg7[%get3A_214, %get3A_215] {strides = array<i32>} : memref<4x2048xi32, #tpu.memory_space<vmem>>, vector<16xi32>,
      %gather3A_217 = tpu.vector_load_idx %arg6[%get3A_216] : memref<32000xf32, #tpu.memory_space<vmem>>[vector<16xi32>], vector<16xf32>,
      %add3A_218 = arith.constant 0 : i32
      %add3A_219 = arith.addi %mul3A_211, %add3A_218 : i32
      %add3A_220 = vector.broadcast %add3A_219 : i32 to vector<16xi32>
      %add3A_221 = arith.addi %add3A_220, %iota3A : vector<16xi32>
      %lt3A = vector.broadcast %max3A_13 : i32 to vector<16xi32>
      %lt3A_222 = arith.cmpi slt, %add3A_221, %lt3A : vector<16xi32>
      %broadcast_in_dim3A_223 = arith.constant 0.000000e+00 : f32
      %broadcast_in_dim3A_224 = vector.broadcast %broadcast_in_dim3A_223 : f32 to vector<16xf32>
      %select_n3A_225 = arith.select %lt3A_222, %gather3A_217, %broadcast_in_dim3A_224 : vector<16xi1>, vector<16xf32>
      %add3A_226 = arith.addf %while3A_209, %select_n3A_225 : vector<16xf32>
      %add3A_227 = arith.constant 16 : i32
      %add3A_228 = arith.addi %mul3A_211, %add3A_227 : i32
      %get3A_229 = arith.constant 0 : i32
      %get3A_230 = arith.index_cast %get3A_229 : i32 to index
      %get3A_231 = arith.index_cast %add3A_228 : i32 to index
      %get3A_232 = tpu.vector_load %arg7[%get3A_230, %get3A_231] {strides = array<i32>} : memref<4x2048xi32, #tpu.memory_space<vmem>>, vector<16xi32>,
      %gather3A_233 = tpu.vector_load_idx %arg6[%get3A_232] : memref<32000xf32, #tpu.memory_space<vmem>>[vector<16xi32>], vector<16xf32>,
      %add3A_234 = arith.constant 16 : i32
      %add3A_235 = arith.addi %mul3A_211, %add3A_234 : i32
      %add3A_236 = vector.broadcast %add3A_235 : i32 to vector<16xi32>
      %add3A_237 = arith.addi %add3A_236, %iota3A : vector<16xi32>
      %lt3A_238 = vector.broadcast %max3A_13 : i32 to vector<16xi32>
      %lt3A_239 = arith.cmpi slt, %add3A_237, %lt3A_238 : vector<16xi32>
      %broadcast_in_dim3A_240 = arith.constant 0.000000e+00 : f32
      %broadcast_in_dim3A_241 = vector.broadcast %broadcast_in_dim3A_240 : f32 to vector<16xf32>
      %select_n3A_242 = arith.select %lt3A_239, %gather3A_233, %broadcast_in_dim3A_241 : vector<16xi1>, vector<16xf32>
      %add3A_243 = arith.addf %add3A_226, %select_n3A_242 : vector<16xf32>
      %add3A_244 = arith.constant 32 : i32
      %add3A_245 = arith.addi %mul3A_211, %add3A_244 : i32
      %get3A_246 = arith.constant 0 : i32
      %get3A_247 = arith.index_cast %get3A_246 : i32 to index
      %get3A_248 = arith.index_cast %add3A_245 : i32 to index
      %get3A_249 = tpu.vector_load %arg7[%get3A_247, %get3A_248] {strides = array<i32>} : memref<4x2048xi32, #tpu.memory_space<vmem>>, vector<16xi32>,
      %gather3A_250 = tpu.vector_load_idx %arg6[%get3A_249] : memref<32000xf32, #tpu.memory_space<vmem>>[vector<16xi32>], vector<16xf32>,
      %add3A_251 = arith.constant 32 : i32
      %add3A_252 = arith.addi %mul3A_211, %add3A_251 : i32
      %add3A_253 = vector.broadcast %add3A_252 : i32 to vector<16xi32>
      %add3A_254 = arith.addi %add3A_253, %iota3A : vector<16xi32>
      %lt3A_255 = vector.broadcast %max3A_13 : i32 to vector<16xi32>
      %lt3A_256 = arith.cmpi slt, %add3A_254, %lt3A_255 : vector<16xi32>
      %broadcast_in_dim3A_257 = arith.constant 0.000000e+00 : f32
      %broadcast_in_dim3A_258 = vector.broadcast %broadcast_in_dim3A_257 : f32 to vector<16xf32>
      %select_n3A_259 = arith.select %lt3A_256, %gather3A_250, %broadcast_in_dim3A_258 : vector<16xi1>, vector<16xf32>
      %add3A_260 = arith.addf %add3A_243, %select_n3A_259 : vector<16xf32>
      %add3A_261 = arith.constant 48 : i32
      %add3A_262 = arith.addi %mul3A_211, %add3A_261 : i32
      %get3A_263 = arith.constant 0 : i32
      %get3A_264 = arith.index_cast %get3A_263 : i32 to index
      %get3A_265 = arith.index_cast %add3A_262 : i32 to index
      %get3A_266 = tpu.vector_load %arg7[%get3A_264, %get3A_265] {strides = array<i32>} : memref<4x2048xi32, #tpu.memory_space<vmem>>, vector<16xi32>,
      %gather3A_267 = tpu.vector_load_idx %arg6[%get3A_266] : memref<32000xf32, #tpu.memory_space<vmem>>[vector<16xi32>], vector<16xf32>,
      %add3A_268 = arith.constant 48 : i32
      %add3A_269 = arith.addi %mul3A_211, %add3A_268 : i32
      %add3A_270 = vector.broadcast %add3A_269 : i32 to vector<16xi32>
      %add3A_271 = arith.addi %add3A_270, %iota3A : vector<16xi32>
      %lt3A_272 = vector.broadcast %max3A_13 : i32 to vector<16xi32>
      %lt3A_273 = arith.cmpi slt, %add3A_271, %lt3A_272 : vector<16xi32>
      %broadcast_in_dim3A_274 = arith.constant 0.000000e+00 : f32
      %broadcast_in_dim3A_275 = vector.broadcast %broadcast_in_dim3A_274 : f32 to vector<16xf32>
      %select_n3A_276 = arith.select %lt3A_273, %gather3A_267, %broadcast_in_dim3A_275 : vector<16xi1>, vector<16xf32>
      %add3A_277 = arith.addf %add3A_260, %select_n3A_276 : vector<16xf32>
      %add3A_278 = arith.constant 64 : i32
      %add3A_279 = arith.addi %mul3A_211, %add3A_278 : i32
      %get3A_280 = arith.constant 0 : i32
      %get3A_281 = arith.index_cast %get3A_280 : i32 to index
      %get3A_282 = arith.index_cast %add3A_279 : i32 to index
      %get3A_283 = tpu.vector_load %arg7[%get3A_281, %get3A_282] {strides = array<i32>} : memref<4x2048xi32, #tpu.memory_space<vmem>>, vector<16xi32>,
      %gather3A_284 = tpu.vector_load_idx %arg6[%get3A_283] : memref<32000xf32, #tpu.memory_space<vmem>>[vector<16xi32>], vector<16xf32>,
      %add3A_285 = arith.constant 64 : i32
      %add3A_286 = arith.addi %mul3A_211, %add3A_285 : i32
      %add3A_287 = vector.broadcast %add3A_286 : i32 to vector<16xi32>
      %add3A_288 = arith.addi %add3A_287, %iota3A : vector<16xi32>
      %lt3A_289 = vector.broadcast %max3A_13 : i32 to vector<16xi32>
      %lt3A_290 = arith.cmpi slt, %add3A_288, %lt3A_289 : vector<16xi32>
      %broadcast_in_dim3A_291 = arith.constant 0.000000e+00 : f32
      %broadcast_in_dim3A_292 = vector.broadcast %broadcast_in_dim3A_291 : f32 to vector<16xf32>
      %select_n3A_293 = arith.select %lt3A_290, %gather3A_284, %broadcast_in_dim3A_292 : vector<16xi1>, vector<16xf32>
      %add3A_294 = arith.addf %add3A_277, %select_n3A_293 : vector<16xf32>
      %add3A_295 = arith.constant 80 : i32
      %add3A_296 = arith.addi %mul3A_211, %add3A_295 : i32
      %get3A_297 = arith.constant 0 : i32
      %get3A_298 = arith.index_cast %get3A_297 : i32 to index
      %get3A_299 = arith.index_cast %add3A_296 : i32 to index
      %get3A_300 = tpu.vector_load %arg7[%get3A_298, %get3A_299] {strides = array<i32>} : memref<4x2048xi32, #tpu.memory_space<vmem>>, vector<16xi32>,
      %gather3A_301 = tpu.vector_load_idx %arg6[%get3A_300] : memref<32000xf32, #tpu.memory_space<vmem>>[vector<16xi32>], vector<16xf32>,
      %add3A_302 = arith.constant 80 : i32
      %add3A_303 = arith.addi %mul3A_211, %add3A_302 : i32
      %add3A_304 = vector.broadcast %add3A_303 : i32 to vector<16xi32>
      %add3A_305 = arith.addi %add3A_304, %iota3A : vector<16xi32>
      %lt3A_306 = vector.broadcast %max3A_13 : i32 to vector<16xi32>
      %lt3A_307 = arith.cmpi slt, %add3A_305, %lt3A_306 : vector<16xi32>
      %broadcast_in_dim3A_308 = arith.constant 0.000000e+00 : f32
      %broadcast_in_dim3A_309 = vector.broadcast %broadcast_in_dim3A_308 : f32 to vector<16xf32>
      %select_n3A_310 = arith.select %lt3A_307, %gather3A_301, %broadcast_in_dim3A_309 : vector<16xi1>, vector<16xf32>
      %add3A_311 = arith.addf %add3A_294, %select_n3A_310 : vector<16xf32>
      %add3A_312 = arith.constant 96 : i32
      %add3A_313 = arith.addi %mul3A_211, %add3A_312 : i32
      %get3A_314 = arith.constant 0 : i32
      %get3A_315 = arith.index_cast %get3A_314 : i32 to index
      %get3A_316 = arith.index_cast %add3A_313 : i32 to index
      %get3A_317 = tpu.vector_load %arg7[%get3A_315, %get3A_316] {strides = array<i32>} : memref<4x2048xi32, #tpu.memory_space<vmem>>, vector<16xi32>,
      %gather3A_318 = tpu.vector_load_idx %arg6[%get3A_317] : memref<32000xf32, #tpu.memory_space<vmem>>[vector<16xi32>], vector<16xf32>,
      %add3A_319 = arith.constant 96 : i32
      %add3A_320 = arith.addi %mul3A_211, %add3A_319 : i32
      %add3A_321 = vector.broadcast %add3A_320 : i32 to vector<16xi32>
      %add3A_322 = arith.addi %add3A_321, %iota3A : vector<16xi32>
      %lt3A_323 = vector.broadcast %max3A_13 : i32 to vector<16xi32>
      %lt3A_324 = arith.cmpi slt, %add3A_322, %lt3A_323 : vector<16xi32>
      %broadcast_in_dim3A_325 = arith.constant 0.000000e+00 : f32
      %broadcast_in_dim3A_326 = vector.broadcast %broadcast_in_dim3A_325 : f32 to vector<16xf32>
      %select_n3A_327 = arith.select %lt3A_324, %gather3A_318, %broadcast_in_dim3A_326 : vector<16xi1>, vector<16xf32>
      %add3A_328 = arith.addf %add3A_311, %select_n3A_327 : vector<16xf32>
      %add3A_329 = arith.constant 112 : i32
      %add3A_330 = arith.addi %mul3A_211, %add3A_329 : i32
      %get3A_331 = arith.constant 0 : i32
      %get3A_332 = arith.index_cast %get3A_331 : i32 to index
      %get3A_333 = arith.index_cast %add3A_330 : i32 to index
      %get3A_334 = tpu.vector_load %arg7[%get3A_332, %get3A_333] {strides = array<i32>} : memref<4x2048xi32, #tpu.memory_space<vmem>>, vector<16xi32>,
      %gather3A_335 = tpu.vector_load_idx %arg6[%get3A_334] : memref<32000xf32, #tpu.memory_space<vmem>>[vector<16xi32>], vector<16xf32>,
      %add3A_336 = arith.constant 112 : i32
      %add3A_337 = arith.addi %mul3A_211, %add3A_336 : i32
      %add3A_338 = vector.broadcast %add3A_337 : i32 to vector<16xi32>
      %add3A_339 = arith.addi %add3A_338, %iota3A : vector<16xi32>
      %lt3A_340 = vector.broadcast %max3A_13 : i32 to vector<16xi32>
      %lt3A_341 = arith.cmpi slt, %add3A_339, %lt3A_340 : vector<16xi32>
      %broadcast_in_dim3A_342 = arith.constant 0.000000e+00 : f32
      %broadcast_in_dim3A_343 = vector.broadcast %broadcast_in_dim3A_342 : f32 to vector<16xf32>
      %select_n3A_344 = arith.select %lt3A_341, %gather3A_335, %broadcast_in_dim3A_343 : vector<16xi1>, vector<16xf32>
      %add3A_345 = arith.addf %add3A_328, %select_n3A_344 : vector<16xf32>
      scf.yield %add3A_345 : vector<16xf32>
    }
    %while3A_44 = arith.constant 1 : i32
    %while3A_45 = scf.for %while3A_208 = %while3A_41 to %while3A_37 step %while3A_44 iter_args(%while3A_209 = %while3A_43) -> (vector<16xf32>)  : i32 {
      %mul3A_210 = arith.constant 128 : i32
      %mul3A_211 = arith.muli %while3A_208, %mul3A_210 : i32
      %add3A_212 = arith.constant 0 : i32
      %add3A_213 = arith.addi %mul3A_211, %add3A_212 : i32
      %get3A = arith.constant 0 : i32
      %get3A_214 = arith.index_cast %get3A : i32 to index
      %get3A_215 = arith.index_cast %add3A_213 : i32 to index
      %get3A_216 = tpu.vector_load %arg7[%get3A_214, %get3A_215] {strides = array<i32>} : memref<4x2048xi32, #tpu.memory_space<vmem>>, vector<16xi32>,
      %gather3A_217 = tpu.vector_load_idx %arg6[%get3A_216] : memref<32000xf32, #tpu.memory_space<vmem>>[vector<16xi32>], vector<16xf32>,
      %add3A_218 = arith.constant 0 : i32
      %add3A_219 = arith.addi %mul3A_211, %add3A_218 : i32
      %add3A_220 = vector.broadcast %add3A_219 : i32 to vector<16xi32>
      %add3A_221 = arith.addi %add3A_220, %iota3A : vector<16xi32>
      %lt3A = vector.broadcast %max3A_13 : i32 to vector<16xi32>
      %lt3A_222 = arith.cmpi slt, %add3A_221, %lt3A : vector<16xi32>
      %broadcast_in_dim3A_223 = arith.constant 0.000000e+00 : f32
      %broadcast_in_dim3A_224 = vector.broadcast %broadcast_in_dim3A_223 : f32 to vector<16xf32>
      %select_n3A_225 = arith.select %lt3A_222, %gather3A_217, %broadcast_in_dim3A_224 : vector<16xi1>, vector<16xf32>
      %add3A_226 = arith.addf %while3A_209, %select_n3A_225 : vector<16xf32>
      %add3A_227 = arith.constant 16 : i32
      %add3A_228 = arith.addi %mul3A_211, %add3A_227 : i32
      %get3A_229 = arith.constant 0 : i32
      %get3A_230 = arith.index_cast %get3A_229 : i32 to index
      %get3A_231 = arith.index_cast %add3A_228 : i32 to index
      %get3A_232 = tpu.vector_load %arg7[%get3A_230, %get3A_231] {strides = array<i32>} : memref<4x2048xi32, #tpu.memory_space<vmem>>, vector<16xi32>,
      %gather3A_233 = tpu.vector_load_idx %arg6[%get3A_232] : memref<32000xf32, #tpu.memory_space<vmem>>[vector<16xi32>], vector<16xf32>,
      %add3A_234 = arith.constant 16 : i32
      %add3A_235 = arith.addi %mul3A_211, %add3A_234 : i32
      %add3A_236 = vector.broadcast %add3A_235 : i32 to vector<16xi32>
      %add3A_237 = arith.addi %add3A_236, %iota3A : vector<16xi32>
      %lt3A_238 = vector.broadcast %max3A_13 : i32 to vector<16xi32>
      %lt3A_239 = arith.cmpi slt, %add3A_237, %lt3A_238 : vector<16xi32>
      %broadcast_in_dim3A_240 = arith.constant 0.000000e+00 : f32
      %broadcast_in_dim3A_241 = vector.broadcast %broadcast_in_dim3A_240 : f32 to vector<16xf32>
      %select_n3A_242 = arith.select %lt3A_239, %gather3A_233, %broadcast_in_dim3A_241 : vector<16xi1>, vector<16xf32>
      %add3A_243 = arith.addf %add3A_226, %select_n3A_242 : vector<16xf32>
      %add3A_244 = arith.constant 32 : i32
      %add3A_245 = arith.addi %mul3A_211, %add3A_244 : i32
      %get3A_246 = arith.constant 0 : i32
      %get3A_247 = arith.index_cast %get3A_246 : i32 to index
      %get3A_248 = arith.index_cast %add3A_245 : i32 to index
      %get3A_249 = tpu.vector_load %arg7[%get3A_247, %get3A_248] {strides = array<i32>} : memref<4x2048xi32, #tpu.memory_space<vmem>>, vector<16xi32>,
      %gather3A_250 = tpu.vector_load_idx %arg6[%get3A_249] : memref<32000xf32, #tpu.memory_space<vmem>>[vector<16xi32>], vector<16xf32>,
      %add3A_251 = arith.constant 32 : i32
      %add3A_252 = arith.addi %mul3A_211, %add3A_251 : i32
      %add3A_253 = vector.broadcast %add3A_252 : i32 to vector<16xi32>
      %add3A_254 = arith.addi %add3A_253, %iota3A : vector<16xi32>
      %lt3A_255 = vector.broadcast %max3A_13 : i32 to vector<16xi32>
      %lt3A_256 = arith.cmpi slt, %add3A_254, %lt3A_255 : vector<16xi32>
      %broadcast_in_dim3A_257 = arith.constant 0.000000e+00 : f32
      %broadcast_in_dim3A_258 = vector.broadcast %broadcast_in_dim3A_257 : f32 to vector<16xf32>
      %select_n3A_259 = arith.select %lt3A_256, %gather3A_250, %broadcast_in_dim3A_258 : vector<16xi1>, vector<16xf32>
      %add3A_260 = arith.addf %add3A_243, %select_n3A_259 : vector<16xf32>
      %add3A_261 = arith.constant 48 : i32
      %add3A_262 = arith.addi %mul3A_211, %add3A_261 : i32
      %get3A_263 = arith.constant 0 : i32
      %get3A_264 = arith.index_cast %get3A_263 : i32 to index
      %get3A_265 = arith.index_cast %add3A_262 : i32 to index
      %get3A_266 = tpu.vector_load %arg7[%get3A_264, %get3A_265] {strides = array<i32>} : memref<4x2048xi32, #tpu.memory_space<vmem>>, vector<16xi32>,
      %gather3A_267 = tpu.vector_load_idx %arg6[%get3A_266] : memref<32000xf32, #tpu.memory_space<vmem>>[vector<16xi32>], vector<16xf32>,
      %add3A_268 = arith.constant 48 : i32
      %add3A_269 = arith.addi %mul3A_211, %add3A_268 : i32
      %add3A_270 = vector.broadcast %add3A_269 : i32 to vector<16xi32>
      %add3A_271 = arith.addi %add3A_270, %iota3A : vector<16xi32>
      %lt3A_272 = vector.broadcast %max3A_13 : i32 to vector<16xi32>
      %lt3A_273 = arith.cmpi slt, %add3A_271, %lt3A_272 : vector<16xi32>
      %broadcast_in_dim3A_274 = arith.constant 0.000000e+00 : f32
      %broadcast_in_dim3A_275 = vector.broadcast %broadcast_in_dim3A_274 : f32 to vector<16xf32>
      %select_n3A_276 = arith.select %lt3A_273, %gather3A_267, %broadcast_in_dim3A_275 : vector<16xi1>, vector<16xf32>
      %add3A_277 = arith.addf %add3A_260, %select_n3A_276 : vector<16xf32>
      %add3A_278 = arith.constant 64 : i32
      %add3A_279 = arith.addi %mul3A_211, %add3A_278 : i32
      %get3A_280 = arith.constant 0 : i32
      %get3A_281 = arith.index_cast %get3A_280 : i32 to index
      %get3A_282 = arith.index_cast %add3A_279 : i32 to index
      %get3A_283 = tpu.vector_load %arg7[%get3A_281, %get3A_282] {strides = array<i32>} : memref<4x2048xi32, #tpu.memory_space<vmem>>, vector<16xi32>,
      %gather3A_284 = tpu.vector_load_idx %arg6[%get3A_283] : memref<32000xf32, #tpu.memory_space<vmem>>[vector<16xi32>], vector<16xf32>,
      %add3A_285 = arith.constant 64 : i32
      %add3A_286 = arith.addi %mul3A_211, %add3A_285 : i32
      %add3A_287 = vector.broadcast %add3A_286 : i32 to vector<16xi32>
      %add3A_288 = arith.addi %add3A_287, %iota3A : vector<16xi32>
      %lt3A_289 = vector.broadcast %max3A_13 : i32 to vector<16xi32>
      %lt3A_290 = arith.cmpi slt, %add3A_288, %lt3A_289 : vector<16xi32>
      %broadcast_in_dim3A_291 = arith.constant 0.000000e+00 : f32
      %broadcast_in_dim3A_292 = vector.broadcast %broadcast_in_dim3A_291 : f32 to vector<16xf32>
      %select_n3A_293 = arith.select %lt3A_290, %gather3A_284, %broadcast_in_dim3A_292 : vector<16xi1>, vector<16xf32>
      %add3A_294 = arith.addf %add3A_277, %select_n3A_293 : vector<16xf32>
      %add3A_295 = arith.constant 80 : i32
      %add3A_296 = arith.addi %mul3A_211, %add3A_295 : i32
      %get3A_297 = arith.constant 0 : i32
      %get3A_298 = arith.index_cast %get3A_297 : i32 to index
      %get3A_299 = arith.index_cast %add3A_296 : i32 to index
      %get3A_300 = tpu.vector_load %arg7[%get3A_298, %get3A_299] {strides = array<i32>} : memref<4x2048xi32, #tpu.memory_space<vmem>>, vector<16xi32>,
      %gather3A_301 = tpu.vector_load_idx %arg6[%get3A_300] : memref<32000xf32, #tpu.memory_space<vmem>>[vector<16xi32>], vector<16xf32>,
      %add3A_302 = arith.constant 80 : i32
      %add3A_303 = arith.addi %mul3A_211, %add3A_302 : i32
      %add3A_304 = vector.broadcast %add3A_303 : i32 to vector<16xi32>
      %add3A_305 = arith.addi %add3A_304, %iota3A : vector<16xi32>
      %lt3A_306 = vector.broadcast %max3A_13 : i32 to vector<16xi32>
      %lt3A_307 = arith.cmpi slt, %add3A_305, %lt3A_306 : vector<16xi32>
      %broadcast_in_dim3A_308 = arith.constant 0.000000e+00 : f32
      %broadcast_in_dim3A_309 = vector.broadcast %broadcast_in_dim3A_308 : f32 to vector<16xf32>
      %select_n3A_310 = arith.select %lt3A_307, %gather3A_301, %broadcast_in_dim3A_309 : vector<16xi1>, vector<16xf32>
      %add3A_311 = arith.addf %add3A_294, %select_n3A_310 : vector<16xf32>
      %add3A_312 = arith.constant 96 : i32
      %add3A_313 = arith.addi %mul3A_211, %add3A_312 : i32
      %get3A_314 = arith.constant 0 : i32
      %get3A_315 = arith.index_cast %get3A_314 : i32 to index
      %get3A_316 = arith.index_cast %add3A_313 : i32 to index
      %get3A_317 = tpu.vector_load %arg7[%get3A_315, %get3A_316] {strides = array<i32>} : memref<4x2048xi32, #tpu.memory_space<vmem>>, vector<16xi32>,
      %gather3A_318 = tpu.vector_load_idx %arg6[%get3A_317] : memref<32000xf32, #tpu.memory_space<vmem>>[vector<16xi32>], vector<16xf32>,
      %add3A_319 = arith.constant 96 : i32
      %add3A_320 = arith.addi %mul3A_211, %add3A_319 : i32
      %add3A_321 = vector.broadcast %add3A_320 : i32 to vector<16xi32>
      %add3A_322 = arith.addi %add3A_321, %iota3A : vector<16xi32>
      %lt3A_323 = vector.broadcast %max3A_13 : i32 to vector<16xi32>
      %lt3A_324 = arith.cmpi slt, %add3A_322, %lt3A_323 : vector<16xi32>
      %broadcast_in_dim3A_325 = arith.constant 0.000000e+00 : f32
      %broadcast_in_dim3A_326 = vector.broadcast %broadcast_in_dim3A_325 : f32 to vector<16xf32>
      %select_n3A_327 = arith.select %lt3A_324, %gather3A_318, %broadcast_in_dim3A_326 : vector<16xi1>, vector<16xf32>
      %add3A_328 = arith.addf %add3A_311, %select_n3A_327 : vector<16xf32>
      %add3A_329 = arith.constant 112 : i32
      %add3A_330 = arith.addi %mul3A_211, %add3A_329 : i32
      %get3A_331 = arith.constant 0 : i32
      %get3A_332 = arith.index_cast %get3A_331 : i32 to index
      %get3A_333 = arith.index_cast %add3A_330 : i32 to index
      %get3A_334 = tpu.vector_load %arg7[%get3A_332, %get3A_333] {strides = array<i32>} : memref<4x2048xi32, #tpu.memory_space<vmem>>, vector<16xi32>,
      %gather3A_335 = tpu.vector_load_idx %arg6[%get3A_334] : memref<32000xf32, #tpu.memory_space<vmem>>[vector<16xi32>], vector<16xf32>,
      %add3A_336 = arith.constant 112 : i32
      %add3A_337 = arith.addi %mul3A_211, %add3A_336 : i32
      %add3A_338 = vector.broadcast %add3A_337 : i32 to vector<16xi32>
      %add3A_339 = arith.addi %add3A_338, %iota3A : vector<16xi32>
      %lt3A_340 = vector.broadcast %max3A_13 : i32 to vector<16xi32>
      %lt3A_341 = arith.cmpi slt, %add3A_339, %lt3A_340 : vector<16xi32>
      %broadcast_in_dim3A_342 = arith.constant 0.000000e+00 : f32
      %broadcast_in_dim3A_343 = vector.broadcast %broadcast_in_dim3A_342 : f32 to vector<16xf32>
      %select_n3A_344 = arith.select %lt3A_341, %gather3A_335, %broadcast_in_dim3A_343 : vector<16xi1>, vector<16xf32>
      %add3A_345 = arith.addf %add3A_328, %select_n3A_344 : vector<16xf32>
      scf.yield %add3A_345 : vector<16xf32>
    }
    %swap3A = arith.constant 0 : i32
    %swap3A_46 = arith.index_cast %swap3A : i32 to index
    %swap3A_47 = arith.constant 0 : index
    %swap3A_48 = tpu.vector_load %arg9[%swap3A_46, %swap3A_47] {strides = array<i32>} : memref<4x16xf32, #tpu.memory_space<vmem>>, vector<16xf32>,
    tpu.vector_store %arg9[%swap3A_46, %swap3A_47], %while3A_45 {strides = array<i32>} : memref<4x16xf32, #tpu.memory_space<vmem>>, vector<16xf32>,
    %add3A_49 = arith.constant 1 : i32
    %add3A_50 = arith.addi %mul3A_2, %add3A_49 : i32
    %broadcast_in_dim3A_51 = vector.broadcast %add3A_50 : i32 to vector<16xi32>
    %gather3A_52 = tpu.vector_load_idx %arg8[%broadcast_in_dim3A_51] : memref<128xi32, #tpu.memory_space<vmem>>[vector<16xi32>], vector<16xi32>,
    %slice3A_53 = vector.extract_strided_slice %gather3A_52 {offsets = [0], sizes = [1], strides = [1]} : vector<16xi32> to vector<1xi32>
    %squeeze3A_54 = vector.extract %slice3A_53[0] : i32 from vector<1xi32>
    %max3A_55 = arith.constant 1 : i32
    %max3A_56 = arith.maxsi %squeeze3A_54, %max3A_55 : i32
    %add3A_57 = arith.constant 128 : i32
    %add3A_58 = arith.addi %max3A_56, %add3A_57 : i32
    %sub3A_59 = arith.constant 1 : i32
    %sub3A_60 = arith.subi %add3A_58, %sub3A_59 : i32
    %jit3A_61 = arith.constant 128 : i32
    %div3A_62 = arith.divsi %sub3A_60, %jit3A_61 : i32
    %sign3A_63 = arith.constant 0 : i32
    %sign3A_64 = arith.cmpi sgt, %sub3A_60, %sign3A_63 : i32
    %sign3A_65 = arith.extui %sign3A_64 : i1 to i32
    %sign3A_66 = arith.constant 0 : i32
    %sign3A_67 = arith.cmpi slt, %sub3A_60, %sign3A_66 : i32
    %sign3A_68 = arith.extui %sign3A_67 : i1 to i32
    %sign3A_69 = arith.subi %sign3A_65, %sign3A_68 : i32
    %sign3A_70 = arith.constant 0 : i32
    %sign3A_71 = arith.cmpi sgt, %jit3A_61, %sign3A_70 : i32
    %sign3A_72 = arith.extui %sign3A_71 : i1 to i32
    %sign3A_73 = arith.constant 0 : i32
    %sign3A_74 = arith.cmpi slt, %jit3A_61, %sign3A_73 : i32
    %sign3A_75 = arith.extui %sign3A_74 : i1 to i32
    %sign3A_76 = arith.subi %sign3A_72, %sign3A_75 : i32
    %ne3A_77 = arith.cmpi ne, %sign3A_69, %sign3A_76 : i32
    %rem3A_78 = arith.remsi %sub3A_60, %jit3A_61 : i32
    %ne3A_79 = arith.constant 0 : i32
    %ne3A_80 = arith.cmpi ne, %rem3A_78, %ne3A_79 : i32
    %and3A_81 = arith.andi %ne3A_77, %ne3A_80 : i1
    %sub3A_82 = arith.constant 1 : i32
    %sub3A_83 = arith.subi %div3A_62, %sub3A_82 : i32
    %select_n3A_84 = arith.select %and3A_81, %sub3A_83, %div3A_62 : i32
    %broadcast_in_dim3A_85 = arith.constant 0.000000e+00 : f32
    %broadcast_in_dim3A_86 = vector.broadcast %broadcast_in_dim3A_85 : f32 to vector<16xf32>
    %while3A_87 = arith.constant 0 : i32
    %while3A_88 = arith.subi %select_n3A_84, %while3A_87 : i32
    %while3A_89 = arith.addi %while3A_87, %while3A_88 : i32
    %while3A_90 = arith.constant 1 : i32
    %while3A_91 = arith.divsi %while3A_88, %while3A_90 : i32
    %while3A_92 = arith.muli %while3A_91, %while3A_90 : i32
    %while3A_93 = arith.addi %while3A_87, %while3A_92 : i32
    %while3A_94 = arith.constant 1 : i32
    %while3A_95 = scf.for %while3A_208 = %while3A_87 to %while3A_93 step %while3A_94 iter_args(%while3A_209 = %broadcast_in_dim3A_86) -> (vector<16xf32>)  : i32 {
      %mul3A_210 = arith.constant 128 : i32
      %mul3A_211 = arith.muli %while3A_208, %mul3A_210 : i32
      %add3A_212 = arith.constant 0 : i32
      %add3A_213 = arith.addi %mul3A_211, %add3A_212 : i32
      %get3A = arith.constant 1 : i32
      %get3A_214 = arith.index_cast %get3A : i32 to index
      %get3A_215 = arith.index_cast %add3A_213 : i32 to index
      %get3A_216 = tpu.vector_load %arg7[%get3A_214, %get3A_215] {strides = array<i32>} : memref<4x2048xi32, #tpu.memory_space<vmem>>, vector<16xi32>,
      %gather3A_217 = tpu.vector_load_idx %arg6[%get3A_216] : memref<32000xf32, #tpu.memory_space<vmem>>[vector<16xi32>], vector<16xf32>,
      %add3A_218 = arith.constant 0 : i32
      %add3A_219 = arith.addi %mul3A_211, %add3A_218 : i32
      %add3A_220 = vector.broadcast %add3A_219 : i32 to vector<16xi32>
      %add3A_221 = arith.addi %add3A_220, %iota3A : vector<16xi32>
      %lt3A = vector.broadcast %max3A_56 : i32 to vector<16xi32>
      %lt3A_222 = arith.cmpi slt, %add3A_221, %lt3A : vector<16xi32>
      %broadcast_in_dim3A_223 = arith.constant 0.000000e+00 : f32
      %broadcast_in_dim3A_224 = vector.broadcast %broadcast_in_dim3A_223 : f32 to vector<16xf32>
      %select_n3A_225 = arith.select %lt3A_222, %gather3A_217, %broadcast_in_dim3A_224 : vector<16xi1>, vector<16xf32>
      %add3A_226 = arith.addf %while3A_209, %select_n3A_225 : vector<16xf32>
      %add3A_227 = arith.constant 16 : i32
      %add3A_228 = arith.addi %mul3A_211, %add3A_227 : i32
      %get3A_229 = arith.constant 1 : i32
      %get3A_230 = arith.index_cast %get3A_229 : i32 to index
      %get3A_231 = arith.index_cast %add3A_228 : i32 to index
      %get3A_232 = tpu.vector_load %arg7[%get3A_230, %get3A_231] {strides = array<i32>} : memref<4x2048xi32, #tpu.memory_space<vmem>>, vector<16xi32>,
      %gather3A_233 = tpu.vector_load_idx %arg6[%get3A_232] : memref<32000xf32, #tpu.memory_space<vmem>>[vector<16xi32>], vector<16xf32>,
      %add3A_234 = arith.constant 16 : i32
      %add3A_235 = arith.addi %mul3A_211, %add3A_234 : i32
      %add3A_236 = vector.broadcast %add3A_235 : i32 to vector<16xi32>
      %add3A_237 = arith.addi %add3A_236, %iota3A : vector<16xi32>
      %lt3A_238 = vector.broadcast %max3A_56 : i32 to vector<16xi32>
      %lt3A_239 = arith.cmpi slt, %add3A_237, %lt3A_238 : vector<16xi32>
      %broadcast_in_dim3A_240 = arith.constant 0.000000e+00 : f32
      %broadcast_in_dim3A_241 = vector.broadcast %broadcast_in_dim3A_240 : f32 to vector<16xf32>
      %select_n3A_242 = arith.select %lt3A_239, %gather3A_233, %broadcast_in_dim3A_241 : vector<16xi1>, vector<16xf32>
      %add3A_243 = arith.addf %add3A_226, %select_n3A_242 : vector<16xf32>
      %add3A_244 = arith.constant 32 : i32
      %add3A_245 = arith.addi %mul3A_211, %add3A_244 : i32
      %get3A_246 = arith.constant 1 : i32
      %get3A_247 = arith.index_cast %get3A_246 : i32 to index
      %get3A_248 = arith.index_cast %add3A_245 : i32 to index
      %get3A_249 = tpu.vector_load %arg7[%get3A_247, %get3A_248] {strides = array<i32>} : memref<4x2048xi32, #tpu.memory_space<vmem>>, vector<16xi32>,
      %gather3A_250 = tpu.vector_load_idx %arg6[%get3A_249] : memref<32000xf32, #tpu.memory_space<vmem>>[vector<16xi32>], vector<16xf32>,
      %add3A_251 = arith.constant 32 : i32
      %add3A_252 = arith.addi %mul3A_211, %add3A_251 : i32
      %add3A_253 = vector.broadcast %add3A_252 : i32 to vector<16xi32>
      %add3A_254 = arith.addi %add3A_253, %iota3A : vector<16xi32>
      %lt3A_255 = vector.broadcast %max3A_56 : i32 to vector<16xi32>
      %lt3A_256 = arith.cmpi slt, %add3A_254, %lt3A_255 : vector<16xi32>
      %broadcast_in_dim3A_257 = arith.constant 0.000000e+00 : f32
      %broadcast_in_dim3A_258 = vector.broadcast %broadcast_in_dim3A_257 : f32 to vector<16xf32>
      %select_n3A_259 = arith.select %lt3A_256, %gather3A_250, %broadcast_in_dim3A_258 : vector<16xi1>, vector<16xf32>
      %add3A_260 = arith.addf %add3A_243, %select_n3A_259 : vector<16xf32>
      %add3A_261 = arith.constant 48 : i32
      %add3A_262 = arith.addi %mul3A_211, %add3A_261 : i32
      %get3A_263 = arith.constant 1 : i32
      %get3A_264 = arith.index_cast %get3A_263 : i32 to index
      %get3A_265 = arith.index_cast %add3A_262 : i32 to index
      %get3A_266 = tpu.vector_load %arg7[%get3A_264, %get3A_265] {strides = array<i32>} : memref<4x2048xi32, #tpu.memory_space<vmem>>, vector<16xi32>,
      %gather3A_267 = tpu.vector_load_idx %arg6[%get3A_266] : memref<32000xf32, #tpu.memory_space<vmem>>[vector<16xi32>], vector<16xf32>,
      %add3A_268 = arith.constant 48 : i32
      %add3A_269 = arith.addi %mul3A_211, %add3A_268 : i32
      %add3A_270 = vector.broadcast %add3A_269 : i32 to vector<16xi32>
      %add3A_271 = arith.addi %add3A_270, %iota3A : vector<16xi32>
      %lt3A_272 = vector.broadcast %max3A_56 : i32 to vector<16xi32>
      %lt3A_273 = arith.cmpi slt, %add3A_271, %lt3A_272 : vector<16xi32>
      %broadcast_in_dim3A_274 = arith.constant 0.000000e+00 : f32
      %broadcast_in_dim3A_275 = vector.broadcast %broadcast_in_dim3A_274 : f32 to vector<16xf32>
      %select_n3A_276 = arith.select %lt3A_273, %gather3A_267, %broadcast_in_dim3A_275 : vector<16xi1>, vector<16xf32>
      %add3A_277 = arith.addf %add3A_260, %select_n3A_276 : vector<16xf32>
      %add3A_278 = arith.constant 64 : i32
      %add3A_279 = arith.addi %mul3A_211, %add3A_278 : i32
      %get3A_280 = arith.constant 1 : i32
      %get3A_281 = arith.index_cast %get3A_280 : i32 to index
      %get3A_282 = arith.index_cast %add3A_279 : i32 to index
      %get3A_283 = tpu.vector_load %arg7[%get3A_281, %get3A_282] {strides = array<i32>} : memref<4x2048xi32, #tpu.memory_space<vmem>>, vector<16xi32>,
      %gather3A_284 = tpu.vector_load_idx %arg6[%get3A_283] : memref<32000xf32, #tpu.memory_space<vmem>>[vector<16xi32>], vector<16xf32>,
      %add3A_285 = arith.constant 64 : i32
      %add3A_286 = arith.addi %mul3A_211, %add3A_285 : i32
      %add3A_287 = vector.broadcast %add3A_286 : i32 to vector<16xi32>
      %add3A_288 = arith.addi %add3A_287, %iota3A : vector<16xi32>
      %lt3A_289 = vector.broadcast %max3A_56 : i32 to vector<16xi32>
      %lt3A_290 = arith.cmpi slt, %add3A_288, %lt3A_289 : vector<16xi32>
      %broadcast_in_dim3A_291 = arith.constant 0.000000e+00 : f32
      %broadcast_in_dim3A_292 = vector.broadcast %broadcast_in_dim3A_291 : f32 to vector<16xf32>
      %select_n3A_293 = arith.select %lt3A_290, %gather3A_284, %broadcast_in_dim3A_292 : vector<16xi1>, vector<16xf32>
      %add3A_294 = arith.addf %add3A_277, %select_n3A_293 : vector<16xf32>
      %add3A_295 = arith.constant 80 : i32
      %add3A_296 = arith.addi %mul3A_211, %add3A_295 : i32
      %get3A_297 = arith.constant 1 : i32
      %get3A_298 = arith.index_cast %get3A_297 : i32 to index
      %get3A_299 = arith.index_cast %add3A_296 : i32 to index
      %get3A_300 = tpu.vector_load %arg7[%get3A_298, %get3A_299] {strides = array<i32>} : memref<4x2048xi32, #tpu.memory_space<vmem>>, vector<16xi32>,
      %gather3A_301 = tpu.vector_load_idx %arg6[%get3A_300] : memref<32000xf32, #tpu.memory_space<vmem>>[vector<16xi32>], vector<16xf32>,
      %add3A_302 = arith.constant 80 : i32
      %add3A_303 = arith.addi %mul3A_211, %add3A_302 : i32
      %add3A_304 = vector.broadcast %add3A_303 : i32 to vector<16xi32>
      %add3A_305 = arith.addi %add3A_304, %iota3A : vector<16xi32>
      %lt3A_306 = vector.broadcast %max3A_56 : i32 to vector<16xi32>
      %lt3A_307 = arith.cmpi slt, %add3A_305, %lt3A_306 : vector<16xi32>
      %broadcast_in_dim3A_308 = arith.constant 0.000000e+00 : f32
      %broadcast_in_dim3A_309 = vector.broadcast %broadcast_in_dim3A_308 : f32 to vector<16xf32>
      %select_n3A_310 = arith.select %lt3A_307, %gather3A_301, %broadcast_in_dim3A_309 : vector<16xi1>, vector<16xf32>
      %add3A_311 = arith.addf %add3A_294, %select_n3A_310 : vector<16xf32>
      %add3A_312 = arith.constant 96 : i32
      %add3A_313 = arith.addi %mul3A_211, %add3A_312 : i32
      %get3A_314 = arith.constant 1 : i32
      %get3A_315 = arith.index_cast %get3A_314 : i32 to index
      %get3A_316 = arith.index_cast %add3A_313 : i32 to index
      %get3A_317 = tpu.vector_load %arg7[%get3A_315, %get3A_316] {strides = array<i32>} : memref<4x2048xi32, #tpu.memory_space<vmem>>, vector<16xi32>,
      %gather3A_318 = tpu.vector_load_idx %arg6[%get3A_317] : memref<32000xf32, #tpu.memory_space<vmem>>[vector<16xi32>], vector<16xf32>,
      %add3A_319 = arith.constant 96 : i32
      %add3A_320 = arith.addi %mul3A_211, %add3A_319 : i32
      %add3A_321 = vector.broadcast %add3A_320 : i32 to vector<16xi32>
      %add3A_322 = arith.addi %add3A_321, %iota3A : vector<16xi32>
      %lt3A_323 = vector.broadcast %max3A_56 : i32 to vector<16xi32>
      %lt3A_324 = arith.cmpi slt, %add3A_322, %lt3A_323 : vector<16xi32>
      %broadcast_in_dim3A_325 = arith.constant 0.000000e+00 : f32
      %broadcast_in_dim3A_326 = vector.broadcast %broadcast_in_dim3A_325 : f32 to vector<16xf32>
      %select_n3A_327 = arith.select %lt3A_324, %gather3A_318, %broadcast_in_dim3A_326 : vector<16xi1>, vector<16xf32>
      %add3A_328 = arith.addf %add3A_311, %select_n3A_327 : vector<16xf32>
      %add3A_329 = arith.constant 112 : i32
      %add3A_330 = arith.addi %mul3A_211, %add3A_329 : i32
      %get3A_331 = arith.constant 1 : i32
      %get3A_332 = arith.index_cast %get3A_331 : i32 to index
      %get3A_333 = arith.index_cast %add3A_330 : i32 to index
      %get3A_334 = tpu.vector_load %arg7[%get3A_332, %get3A_333] {strides = array<i32>} : memref<4x2048xi32, #tpu.memory_space<vmem>>, vector<16xi32>,
      %gather3A_335 = tpu.vector_load_idx %arg6[%get3A_334] : memref<32000xf32, #tpu.memory_space<vmem>>[vector<16xi32>], vector<16xf32>,
      %add3A_336 = arith.constant 112 : i32
      %add3A_337 = arith.addi %mul3A_211, %add3A_336 : i32
      %add3A_338 = vector.broadcast %add3A_337 : i32 to vector<16xi32>
      %add3A_339 = arith.addi %add3A_338, %iota3A : vector<16xi32>
      %lt3A_340 = vector.broadcast %max3A_56 : i32 to vector<16xi32>
      %lt3A_341 = arith.cmpi slt, %add3A_339, %lt3A_340 : vector<16xi32>
      %broadcast_in_dim3A_342 = arith.constant 0.000000e+00 : f32
      %broadcast_in_dim3A_343 = vector.broadcast %broadcast_in_dim3A_342 : f32 to vector<16xf32>
      %select_n3A_344 = arith.select %lt3A_341, %gather3A_335, %broadcast_in_dim3A_343 : vector<16xi1>, vector<16xf32>
      %add3A_345 = arith.addf %add3A_328, %select_n3A_344 : vector<16xf32>
      scf.yield %add3A_345 : vector<16xf32>
    }
    %while3A_96 = arith.constant 1 : i32
    %while3A_97 = scf.for %while3A_208 = %while3A_93 to %while3A_89 step %while3A_96 iter_args(%while3A_209 = %while3A_95) -> (vector<16xf32>)  : i32 {
      %mul3A_210 = arith.constant 128 : i32
      %mul3A_211 = arith.muli %while3A_208, %mul3A_210 : i32
      %add3A_212 = arith.constant 0 : i32
      %add3A_213 = arith.addi %mul3A_211, %add3A_212 : i32
      %get3A = arith.constant 1 : i32
      %get3A_214 = arith.index_cast %get3A : i32 to index
      %get3A_215 = arith.index_cast %add3A_213 : i32 to index
      %get3A_216 = tpu.vector_load %arg7[%get3A_214, %get3A_215] {strides = array<i32>} : memref<4x2048xi32, #tpu.memory_space<vmem>>, vector<16xi32>,
      %gather3A_217 = tpu.vector_load_idx %arg6[%get3A_216] : memref<32000xf32, #tpu.memory_space<vmem>>[vector<16xi32>], vector<16xf32>,
      %add3A_218 = arith.constant 0 : i32
      %add3A_219 = arith.addi %mul3A_211, %add3A_218 : i32
      %add3A_220 = vector.broadcast %add3A_219 : i32 to vector<16xi32>
      %add3A_221 = arith.addi %add3A_220, %iota3A : vector<16xi32>
      %lt3A = vector.broadcast %max3A_56 : i32 to vector<16xi32>
      %lt3A_222 = arith.cmpi slt, %add3A_221, %lt3A : vector<16xi32>
      %broadcast_in_dim3A_223 = arith.constant 0.000000e+00 : f32
      %broadcast_in_dim3A_224 = vector.broadcast %broadcast_in_dim3A_223 : f32 to vector<16xf32>
      %select_n3A_225 = arith.select %lt3A_222, %gather3A_217, %broadcast_in_dim3A_224 : vector<16xi1>, vector<16xf32>
      %add3A_226 = arith.addf %while3A_209, %select_n3A_225 : vector<16xf32>
      %add3A_227 = arith.constant 16 : i32
      %add3A_228 = arith.addi %mul3A_211, %add3A_227 : i32
      %get3A_229 = arith.constant 1 : i32
      %get3A_230 = arith.index_cast %get3A_229 : i32 to index
      %get3A_231 = arith.index_cast %add3A_228 : i32 to index
      %get3A_232 = tpu.vector_load %arg7[%get3A_230, %get3A_231] {strides = array<i32>} : memref<4x2048xi32, #tpu.memory_space<vmem>>, vector<16xi32>,
      %gather3A_233 = tpu.vector_load_idx %arg6[%get3A_232] : memref<32000xf32, #tpu.memory_space<vmem>>[vector<16xi32>], vector<16xf32>,
      %add3A_234 = arith.constant 16 : i32
      %add3A_235 = arith.addi %mul3A_211, %add3A_234 : i32
      %add3A_236 = vector.broadcast %add3A_235 : i32 to vector<16xi32>
      %add3A_237 = arith.addi %add3A_236, %iota3A : vector<16xi32>
      %lt3A_238 = vector.broadcast %max3A_56 : i32 to vector<16xi32>
      %lt3A_239 = arith.cmpi slt, %add3A_237, %lt3A_238 : vector<16xi32>
      %broadcast_in_dim3A_240 = arith.constant 0.000000e+00 : f32
      %broadcast_in_dim3A_241 = vector.broadcast %broadcast_in_dim3A_240 : f32 to vector<16xf32>
      %select_n3A_242 = arith.select %lt3A_239, %gather3A_233, %broadcast_in_dim3A_241 : vector<16xi1>, vector<16xf32>
      %add3A_243 = arith.addf %add3A_226, %select_n3A_242 : vector<16xf32>
      %add3A_244 = arith.constant 32 : i32
      %add3A_245 = arith.addi %mul3A_211, %add3A_244 : i32
      %get3A_246 = arith.constant 1 : i32
      %get3A_247 = arith.index_cast %get3A_246 : i32 to index
      %get3A_248 = arith.index_cast %add3A_245 : i32 to index
      %get3A_249 = tpu.vector_load %arg7[%get3A_247, %get3A_248] {strides = array<i32>} : memref<4x2048xi32, #tpu.memory_space<vmem>>, vector<16xi32>,
      %gather3A_250 = tpu.vector_load_idx %arg6[%get3A_249] : memref<32000xf32, #tpu.memory_space<vmem>>[vector<16xi32>], vector<16xf32>,
      %add3A_251 = arith.constant 32 : i32
      %add3A_252 = arith.addi %mul3A_211, %add3A_251 : i32
      %add3A_253 = vector.broadcast %add3A_252 : i32 to vector<16xi32>
      %add3A_254 = arith.addi %add3A_253, %iota3A : vector<16xi32>
      %lt3A_255 = vector.broadcast %max3A_56 : i32 to vector<16xi32>
      %lt3A_256 = arith.cmpi slt, %add3A_254, %lt3A_255 : vector<16xi32>
      %broadcast_in_dim3A_257 = arith.constant 0.000000e+00 : f32
      %broadcast_in_dim3A_258 = vector.broadcast %broadcast_in_dim3A_257 : f32 to vector<16xf32>
      %select_n3A_259 = arith.select %lt3A_256, %gather3A_250, %broadcast_in_dim3A_258 : vector<16xi1>, vector<16xf32>
      %add3A_260 = arith.addf %add3A_243, %select_n3A_259 : vector<16xf32>
      %add3A_261 = arith.constant 48 : i32
      %add3A_262 = arith.addi %mul3A_211, %add3A_261 : i32
      %get3A_263 = arith.constant 1 : i32
      %get3A_264 = arith.index_cast %get3A_263 : i32 to index
      %get3A_265 = arith.index_cast %add3A_262 : i32 to index
      %get3A_266 = tpu.vector_load %arg7[%get3A_264, %get3A_265] {strides = array<i32>} : memref<4x2048xi32, #tpu.memory_space<vmem>>, vector<16xi32>,
      %gather3A_267 = tpu.vector_load_idx %arg6[%get3A_266] : memref<32000xf32, #tpu.memory_space<vmem>>[vector<16xi32>], vector<16xf32>,
      %add3A_268 = arith.constant 48 : i32
      %add3A_269 = arith.addi %mul3A_211, %add3A_268 : i32
      %add3A_270 = vector.broadcast %add3A_269 : i32 to vector<16xi32>
      %add3A_271 = arith.addi %add3A_270, %iota3A : vector<16xi32>
      %lt3A_272 = vector.broadcast %max3A_56 : i32 to vector<16xi32>
      %lt3A_273 = arith.cmpi slt, %add3A_271, %lt3A_272 : vector<16xi32>
      %broadcast_in_dim3A_274 = arith.constant 0.000000e+00 : f32
      %broadcast_in_dim3A_275 = vector.broadcast %broadcast_in_dim3A_274 : f32 to vector<16xf32>
      %select_n3A_276 = arith.select %lt3A_273, %gather3A_267, %broadcast_in_dim3A_275 : vector<16xi1>, vector<16xf32>
      %add3A_277 = arith.addf %add3A_260, %select_n3A_276 : vector<16xf32>
      %add3A_278 = arith.constant 64 : i32
      %add3A_279 = arith.addi %mul3A_211, %add3A_278 : i32
      %get3A_280 = arith.constant 1 : i32
      %get3A_281 = arith.index_cast %get3A_280 : i32 to index
      %get3A_282 = arith.index_cast %add3A_279 : i32 to index
      %get3A_283 = tpu.vector_load %arg7[%get3A_281, %get3A_282] {strides = array<i32>} : memref<4x2048xi32, #tpu.memory_space<vmem>>, vector<16xi32>,
      %gather3A_284 = tpu.vector_load_idx %arg6[%get3A_283] : memref<32000xf32, #tpu.memory_space<vmem>>[vector<16xi32>], vector<16xf32>,
      %add3A_285 = arith.constant 64 : i32
      %add3A_286 = arith.addi %mul3A_211, %add3A_285 : i32
      %add3A_287 = vector.broadcast %add3A_286 : i32 to vector<16xi32>
      %add3A_288 = arith.addi %add3A_287, %iota3A : vector<16xi32>
      %lt3A_289 = vector.broadcast %max3A_56 : i32 to vector<16xi32>
      %lt3A_290 = arith.cmpi slt, %add3A_288, %lt3A_289 : vector<16xi32>
      %broadcast_in_dim3A_291 = arith.constant 0.000000e+00 : f32
      %broadcast_in_dim3A_292 = vector.broadcast %broadcast_in_dim3A_291 : f32 to vector<16xf32>
      %select_n3A_293 = arith.select %lt3A_290, %gather3A_284, %broadcast_in_dim3A_292 : vector<16xi1>, vector<16xf32>
      %add3A_294 = arith.addf %add3A_277, %select_n3A_293 : vector<16xf32>
      %add3A_295 = arith.constant 80 : i32
      %add3A_296 = arith.addi %mul3A_211, %add3A_295 : i32
      %get3A_297 = arith.constant 1 : i32
      %get3A_298 = arith.index_cast %get3A_297 : i32 to index
      %get3A_299 = arith.index_cast %add3A_296 : i32 to index
      %get3A_300 = tpu.vector_load %arg7[%get3A_298, %get3A_299] {strides = array<i32>} : memref<4x2048xi32, #tpu.memory_space<vmem>>, vector<16xi32>,
      %gather3A_301 = tpu.vector_load_idx %arg6[%get3A_300] : memref<32000xf32, #tpu.memory_space<vmem>>[vector<16xi32>], vector<16xf32>,
      %add3A_302 = arith.constant 80 : i32
      %add3A_303 = arith.addi %mul3A_211, %add3A_302 : i32
      %add3A_304 = vector.broadcast %add3A_303 : i32 to vector<16xi32>
      %add3A_305 = arith.addi %add3A_304, %iota3A : vector<16xi32>
      %lt3A_306 = vector.broadcast %max3A_56 : i32 to vector<16xi32>
      %lt3A_307 = arith.cmpi slt, %add3A_305, %lt3A_306 : vector<16xi32>
      %broadcast_in_dim3A_308 = arith.constant 0.000000e+00 : f32
      %broadcast_in_dim3A_309 = vector.broadcast %broadcast_in_dim3A_308 : f32 to vector<16xf32>
      %select_n3A_310 = arith.select %lt3A_307, %gather3A_301, %broadcast_in_dim3A_309 : vector<16xi1>, vector<16xf32>
      %add3A_311 = arith.addf %add3A_294, %select_n3A_310 : vector<16xf32>
      %add3A_312 = arith.constant 96 : i32
      %add3A_313 = arith.addi %mul3A_211, %add3A_312 : i32
      %get3A_314 = arith.constant 1 : i32
      %get3A_315 = arith.index_cast %get3A_314 : i32 to index
      %get3A_316 = arith.index_cast %add3A_313 : i32 to index
      %get3A_317 = tpu.vector_load %arg7[%get3A_315, %get3A_316] {strides = array<i32>} : memref<4x2048xi32, #tpu.memory_space<vmem>>, vector<16xi32>,
      %gather3A_318 = tpu.vector_load_idx %arg6[%get3A_317] : memref<32000xf32, #tpu.memory_space<vmem>>[vector<16xi32>], vector<16xf32>,
      %add3A_319 = arith.constant 96 : i32
      %add3A_320 = arith.addi %mul3A_211, %add3A_319 : i32
      %add3A_321 = vector.broadcast %add3A_320 : i32 to vector<16xi32>
      %add3A_322 = arith.addi %add3A_321, %iota3A : vector<16xi32>
      %lt3A_323 = vector.broadcast %max3A_56 : i32 to vector<16xi32>
      %lt3A_324 = arith.cmpi slt, %add3A_322, %lt3A_323 : vector<16xi32>
      %broadcast_in_dim3A_325 = arith.constant 0.000000e+00 : f32
      %broadcast_in_dim3A_326 = vector.broadcast %broadcast_in_dim3A_325 : f32 to vector<16xf32>
      %select_n3A_327 = arith.select %lt3A_324, %gather3A_318, %broadcast_in_dim3A_326 : vector<16xi1>, vector<16xf32>
      %add3A_328 = arith.addf %add3A_311, %select_n3A_327 : vector<16xf32>
      %add3A_329 = arith.constant 112 : i32
      %add3A_330 = arith.addi %mul3A_211, %add3A_329 : i32
      %get3A_331 = arith.constant 1 : i32
      %get3A_332 = arith.index_cast %get3A_331 : i32 to index
      %get3A_333 = arith.index_cast %add3A_330 : i32 to index
      %get3A_334 = tpu.vector_load %arg7[%get3A_332, %get3A_333] {strides = array<i32>} : memref<4x2048xi32, #tpu.memory_space<vmem>>, vector<16xi32>,
      %gather3A_335 = tpu.vector_load_idx %arg6[%get3A_334] : memref<32000xf32, #tpu.memory_space<vmem>>[vector<16xi32>], vector<16xf32>,
      %add3A_336 = arith.constant 112 : i32
      %add3A_337 = arith.addi %mul3A_211, %add3A_336 : i32
      %add3A_338 = vector.broadcast %add3A_337 : i32 to vector<16xi32>
      %add3A_339 = arith.addi %add3A_338, %iota3A : vector<16xi32>
      %lt3A_340 = vector.broadcast %max3A_56 : i32 to vector<16xi32>
      %lt3A_341 = arith.cmpi slt, %add3A_339, %lt3A_340 : vector<16xi32>
      %broadcast_in_dim3A_342 = arith.constant 0.000000e+00 : f32
      %broadcast_in_dim3A_343 = vector.broadcast %broadcast_in_dim3A_342 : f32 to vector<16xf32>
      %select_n3A_344 = arith.select %lt3A_341, %gather3A_335, %broadcast_in_dim3A_343 : vector<16xi1>, vector<16xf32>
      %add3A_345 = arith.addf %add3A_328, %select_n3A_344 : vector<16xf32>
      scf.yield %add3A_345 : vector<16xf32>
    }
    %swap3A_98 = arith.constant 1 : i32
    %swap3A_99 = arith.index_cast %swap3A_98 : i32 to index
    %swap3A_100 = arith.constant 0 : index
    %swap3A_101 = tpu.vector_load %arg9[%swap3A_99, %swap3A_100] {strides = array<i32>} : memref<4x16xf32, #tpu.memory_space<vmem>>, vector<16xf32>,
    tpu.vector_store %arg9[%swap3A_99, %swap3A_100], %while3A_97 {strides = array<i32>} : memref<4x16xf32, #tpu.memory_space<vmem>>, vector<16xf32>,
    %add3A_102 = arith.constant 2 : i32
    %add3A_103 = arith.addi %mul3A_2, %add3A_102 : i32
    %broadcast_in_dim3A_104 = vector.broadcast %add3A_103 : i32 to vector<16xi32>
    %gather3A_105 = tpu.vector_load_idx %arg8[%broadcast_in_dim3A_104] : memref<128xi32, #tpu.memory_space<vmem>>[vector<16xi32>], vector<16xi32>,
    %slice3A_106 = vector.extract_strided_slice %gather3A_105 {offsets = [0], sizes = [1], strides = [1]} : vector<16xi32> to vector<1xi32>
    %squeeze3A_107 = vector.extract %slice3A_106[0] : i32 from vector<1xi32>
    %max3A_108 = arith.constant 1 : i32
    %max3A_109 = arith.maxsi %squeeze3A_107, %max3A_108 : i32
    %add3A_110 = arith.constant 128 : i32
    %add3A_111 = arith.addi %max3A_109, %add3A_110 : i32
    %sub3A_112 = arith.constant 1 : i32
    %sub3A_113 = arith.subi %add3A_111, %sub3A_112 : i32
    %jit3A_114 = arith.constant 128 : i32
    %div3A_115 = arith.divsi %sub3A_113, %jit3A_114 : i32
    %sign3A_116 = arith.constant 0 : i32
    %sign3A_117 = arith.cmpi sgt, %sub3A_113, %sign3A_116 : i32
    %sign3A_118 = arith.extui %sign3A_117 : i1 to i32
    %sign3A_119 = arith.constant 0 : i32
    %sign3A_120 = arith.cmpi slt, %sub3A_113, %sign3A_119 : i32
    %sign3A_121 = arith.extui %sign3A_120 : i1 to i32
    %sign3A_122 = arith.subi %sign3A_118, %sign3A_121 : i32
    %sign3A_123 = arith.constant 0 : i32
    %sign3A_124 = arith.cmpi sgt, %jit3A_114, %sign3A_123 : i32
    %sign3A_125 = arith.extui %sign3A_124 : i1 to i32
    %sign3A_126 = arith.constant 0 : i32
    %sign3A_127 = arith.cmpi slt, %jit3A_114, %sign3A_126 : i32
    %sign3A_128 = arith.extui %sign3A_127 : i1 to i32
    %sign3A_129 = arith.subi %sign3A_125, %sign3A_128 : i32
    %ne3A_130 = arith.cmpi ne, %sign3A_122, %sign3A_129 : i32
    %rem3A_131 = arith.remsi %sub3A_113, %jit3A_114 : i32
    %ne3A_132 = arith.constant 0 : i32
    %ne3A_133 = arith.cmpi ne, %rem3A_131, %ne3A_132 : i32
    %and3A_134 = arith.andi %ne3A_130, %ne3A_133 : i1
    %sub3A_135 = arith.constant 1 : i32
    %sub3A_136 = arith.subi %div3A_115, %sub3A_135 : i32
    %select_n3A_137 = arith.select %and3A_134, %sub3A_136, %div3A_115 : i32
    %broadcast_in_dim3A_138 = arith.constant 0.000000e+00 : f32
    %broadcast_in_dim3A_139 = vector.broadcast %broadcast_in_dim3A_138 : f32 to vector<16xf32>
    %while3A_140 = arith.constant 0 : i32
    %while3A_141 = arith.subi %select_n3A_137, %while3A_140 : i32
    %while3A_142 = arith.addi %while3A_140, %while3A_141 : i32
    %while3A_143 = arith.constant 1 : i32
    %while3A_144 = arith.divsi %while3A_141, %while3A_143 : i32
    %while3A_145 = arith.muli %while3A_144, %while3A_143 : i32
    %while3A_146 = arith.addi %while3A_140, %while3A_145 : i32
    %while3A_147 = arith.constant 1 : i32
    %while3A_148 = scf.for %while3A_208 = %while3A_140 to %while3A_146 step %while3A_147 iter_args(%while3A_209 = %broadcast_in_dim3A_139) -> (vector<16xf32>)  : i32 {
      %mul3A_210 = arith.constant 128 : i32
      %mul3A_211 = arith.muli %while3A_208, %mul3A_210 : i32
      %add3A_212 = arith.constant 0 : i32
      %add3A_213 = arith.addi %mul3A_211, %add3A_212 : i32
      %get3A = arith.constant 2 : i32
      %get3A_214 = arith.index_cast %get3A : i32 to index
      %get3A_215 = arith.index_cast %add3A_213 : i32 to index
      %get3A_216 = tpu.vector_load %arg7[%get3A_214, %get3A_215] {strides = array<i32>} : memref<4x2048xi32, #tpu.memory_space<vmem>>, vector<16xi32>,
      %gather3A_217 = tpu.vector_load_idx %arg6[%get3A_216] : memref<32000xf32, #tpu.memory_space<vmem>>[vector<16xi32>], vector<16xf32>,
      %add3A_218 = arith.constant 0 : i32
      %add3A_219 = arith.addi %mul3A_211, %add3A_218 : i32
      %add3A_220 = vector.broadcast %add3A_219 : i32 to vector<16xi32>
      %add3A_221 = arith.addi %add3A_220, %iota3A : vector<16xi32>
      %lt3A = vector.broadcast %max3A_109 : i32 to vector<16xi32>
      %lt3A_222 = arith.cmpi slt, %add3A_221, %lt3A : vector<16xi32>
      %broadcast_in_dim3A_223 = arith.constant 0.000000e+00 : f32
      %broadcast_in_dim3A_224 = vector.broadcast %broadcast_in_dim3A_223 : f32 to vector<16xf32>
      %select_n3A_225 = arith.select %lt3A_222, %gather3A_217, %broadcast_in_dim3A_224 : vector<16xi1>, vector<16xf32>
      %add3A_226 = arith.addf %while3A_209, %select_n3A_225 : vector<16xf32>
      %add3A_227 = arith.constant 16 : i32
      %add3A_228 = arith.addi %mul3A_211, %add3A_227 : i32
      %get3A_229 = arith.constant 2 : i32
      %get3A_230 = arith.index_cast %get3A_229 : i32 to index
      %get3A_231 = arith.index_cast %add3A_228 : i32 to index
      %get3A_232 = tpu.vector_load %arg7[%get3A_230, %get3A_231] {strides = array<i32>} : memref<4x2048xi32, #tpu.memory_space<vmem>>, vector<16xi32>,
      %gather3A_233 = tpu.vector_load_idx %arg6[%get3A_232] : memref<32000xf32, #tpu.memory_space<vmem>>[vector<16xi32>], vector<16xf32>,
      %add3A_234 = arith.constant 16 : i32
      %add3A_235 = arith.addi %mul3A_211, %add3A_234 : i32
      %add3A_236 = vector.broadcast %add3A_235 : i32 to vector<16xi32>
      %add3A_237 = arith.addi %add3A_236, %iota3A : vector<16xi32>
      %lt3A_238 = vector.broadcast %max3A_109 : i32 to vector<16xi32>
      %lt3A_239 = arith.cmpi slt, %add3A_237, %lt3A_238 : vector<16xi32>
      %broadcast_in_dim3A_240 = arith.constant 0.000000e+00 : f32
      %broadcast_in_dim3A_241 = vector.broadcast %broadcast_in_dim3A_240 : f32 to vector<16xf32>
      %select_n3A_242 = arith.select %lt3A_239, %gather3A_233, %broadcast_in_dim3A_241 : vector<16xi1>, vector<16xf32>
      %add3A_243 = arith.addf %add3A_226, %select_n3A_242 : vector<16xf32>
      %add3A_244 = arith.constant 32 : i32
      %add3A_245 = arith.addi %mul3A_211, %add3A_244 : i32
      %get3A_246 = arith.constant 2 : i32
      %get3A_247 = arith.index_cast %get3A_246 : i32 to index
      %get3A_248 = arith.index_cast %add3A_245 : i32 to index
      %get3A_249 = tpu.vector_load %arg7[%get3A_247, %get3A_248] {strides = array<i32>} : memref<4x2048xi32, #tpu.memory_space<vmem>>, vector<16xi32>,
      %gather3A_250 = tpu.vector_load_idx %arg6[%get3A_249] : memref<32000xf32, #tpu.memory_space<vmem>>[vector<16xi32>], vector<16xf32>,
      %add3A_251 = arith.constant 32 : i32
      %add3A_252 = arith.addi %mul3A_211, %add3A_251 : i32
      %add3A_253 = vector.broadcast %add3A_252 : i32 to vector<16xi32>
      %add3A_254 = arith.addi %add3A_253, %iota3A : vector<16xi32>
      %lt3A_255 = vector.broadcast %max3A_109 : i32 to vector<16xi32>
      %lt3A_256 = arith.cmpi slt, %add3A_254, %lt3A_255 : vector<16xi32>
      %broadcast_in_dim3A_257 = arith.constant 0.000000e+00 : f32
      %broadcast_in_dim3A_258 = vector.broadcast %broadcast_in_dim3A_257 : f32 to vector<16xf32>
      %select_n3A_259 = arith.select %lt3A_256, %gather3A_250, %broadcast_in_dim3A_258 : vector<16xi1>, vector<16xf32>
      %add3A_260 = arith.addf %add3A_243, %select_n3A_259 : vector<16xf32>
      %add3A_261 = arith.constant 48 : i32
      %add3A_262 = arith.addi %mul3A_211, %add3A_261 : i32
      %get3A_263 = arith.constant 2 : i32
      %get3A_264 = arith.index_cast %get3A_263 : i32 to index
      %get3A_265 = arith.index_cast %add3A_262 : i32 to index
      %get3A_266 = tpu.vector_load %arg7[%get3A_264, %get3A_265] {strides = array<i32>} : memref<4x2048xi32, #tpu.memory_space<vmem>>, vector<16xi32>,
      %gather3A_267 = tpu.vector_load_idx %arg6[%get3A_266] : memref<32000xf32, #tpu.memory_space<vmem>>[vector<16xi32>], vector<16xf32>,
      %add3A_268 = arith.constant 48 : i32
      %add3A_269 = arith.addi %mul3A_211, %add3A_268 : i32
      %add3A_270 = vector.broadcast %add3A_269 : i32 to vector<16xi32>
      %add3A_271 = arith.addi %add3A_270, %iota3A : vector<16xi32>
      %lt3A_272 = vector.broadcast %max3A_109 : i32 to vector<16xi32>
      %lt3A_273 = arith.cmpi slt, %add3A_271, %lt3A_272 : vector<16xi32>
      %broadcast_in_dim3A_274 = arith.constant 0.000000e+00 : f32
      %broadcast_in_dim3A_275 = vector.broadcast %broadcast_in_dim3A_274 : f32 to vector<16xf32>
      %select_n3A_276 = arith.select %lt3A_273, %gather3A_267, %broadcast_in_dim3A_275 : vector<16xi1>, vector<16xf32>
      %add3A_277 = arith.addf %add3A_260, %select_n3A_276 : vector<16xf32>
      %add3A_278 = arith.constant 64 : i32
      %add3A_279 = arith.addi %mul3A_211, %add3A_278 : i32
      %get3A_280 = arith.constant 2 : i32
      %get3A_281 = arith.index_cast %get3A_280 : i32 to index
      %get3A_282 = arith.index_cast %add3A_279 : i32 to index
      %get3A_283 = tpu.vector_load %arg7[%get3A_281, %get3A_282] {strides = array<i32>} : memref<4x2048xi32, #tpu.memory_space<vmem>>, vector<16xi32>,
      %gather3A_284 = tpu.vector_load_idx %arg6[%get3A_283] : memref<32000xf32, #tpu.memory_space<vmem>>[vector<16xi32>], vector<16xf32>,
      %add3A_285 = arith.constant 64 : i32
      %add3A_286 = arith.addi %mul3A_211, %add3A_285 : i32
      %add3A_287 = vector.broadcast %add3A_286 : i32 to vector<16xi32>
      %add3A_288 = arith.addi %add3A_287, %iota3A : vector<16xi32>
      %lt3A_289 = vector.broadcast %max3A_109 : i32 to vector<16xi32>
      %lt3A_290 = arith.cmpi slt, %add3A_288, %lt3A_289 : vector<16xi32>
      %broadcast_in_dim3A_291 = arith.constant 0.000000e+00 : f32
      %broadcast_in_dim3A_292 = vector.broadcast %broadcast_in_dim3A_291 : f32 to vector<16xf32>
      %select_n3A_293 = arith.select %lt3A_290, %gather3A_284, %broadcast_in_dim3A_292 : vector<16xi1>, vector<16xf32>
      %add3A_294 = arith.addf %add3A_277, %select_n3A_293 : vector<16xf32>
      %add3A_295 = arith.constant 80 : i32
      %add3A_296 = arith.addi %mul3A_211, %add3A_295 : i32
      %get3A_297 = arith.constant 2 : i32
      %get3A_298 = arith.index_cast %get3A_297 : i32 to index
      %get3A_299 = arith.index_cast %add3A_296 : i32 to index
      %get3A_300 = tpu.vector_load %arg7[%get3A_298, %get3A_299] {strides = array<i32>} : memref<4x2048xi32, #tpu.memory_space<vmem>>, vector<16xi32>,
      %gather3A_301 = tpu.vector_load_idx %arg6[%get3A_300] : memref<32000xf32, #tpu.memory_space<vmem>>[vector<16xi32>], vector<16xf32>,
      %add3A_302 = arith.constant 80 : i32
      %add3A_303 = arith.addi %mul3A_211, %add3A_302 : i32
      %add3A_304 = vector.broadcast %add3A_303 : i32 to vector<16xi32>
      %add3A_305 = arith.addi %add3A_304, %iota3A : vector<16xi32>
      %lt3A_306 = vector.broadcast %max3A_109 : i32 to vector<16xi32>
      %lt3A_307 = arith.cmpi slt, %add3A_305, %lt3A_306 : vector<16xi32>
      %broadcast_in_dim3A_308 = arith.constant 0.000000e+00 : f32
      %broadcast_in_dim3A_309 = vector.broadcast %broadcast_in_dim3A_308 : f32 to vector<16xf32>
      %select_n3A_310 = arith.select %lt3A_307, %gather3A_301, %broadcast_in_dim3A_309 : vector<16xi1>, vector<16xf32>
      %add3A_311 = arith.addf %add3A_294, %select_n3A_310 : vector<16xf32>
      %add3A_312 = arith.constant 96 : i32
      %add3A_313 = arith.addi %mul3A_211, %add3A_312 : i32
      %get3A_314 = arith.constant 2 : i32
      %get3A_315 = arith.index_cast %get3A_314 : i32 to index
      %get3A_316 = arith.index_cast %add3A_313 : i32 to index
      %get3A_317 = tpu.vector_load %arg7[%get3A_315, %get3A_316] {strides = array<i32>} : memref<4x2048xi32, #tpu.memory_space<vmem>>, vector<16xi32>,
      %gather3A_318 = tpu.vector_load_idx %arg6[%get3A_317] : memref<32000xf32, #tpu.memory_space<vmem>>[vector<16xi32>], vector<16xf32>,
      %add3A_319 = arith.constant 96 : i32
      %add3A_320 = arith.addi %mul3A_211, %add3A_319 : i32
      %add3A_321 = vector.broadcast %add3A_320 : i32 to vector<16xi32>
      %add3A_322 = arith.addi %add3A_321, %iota3A : vector<16xi32>
      %lt3A_323 = vector.broadcast %max3A_109 : i32 to vector<16xi32>
      %lt3A_324 = arith.cmpi slt, %add3A_322, %lt3A_323 : vector<16xi32>
      %broadcast_in_dim3A_325 = arith.constant 0.000000e+00 : f32
      %broadcast_in_dim3A_326 = vector.broadcast %broadcast_in_dim3A_325 : f32 to vector<16xf32>
      %select_n3A_327 = arith.select %lt3A_324, %gather3A_318, %broadcast_in_dim3A_326 : vector<16xi1>, vector<16xf32>
      %add3A_328 = arith.addf %add3A_311, %select_n3A_327 : vector<16xf32>
      %add3A_329 = arith.constant 112 : i32
      %add3A_330 = arith.addi %mul3A_211, %add3A_329 : i32
      %get3A_331 = arith.constant 2 : i32
      %get3A_332 = arith.index_cast %get3A_331 : i32 to index
      %get3A_333 = arith.index_cast %add3A_330 : i32 to index
      %get3A_334 = tpu.vector_load %arg7[%get3A_332, %get3A_333] {strides = array<i32>} : memref<4x2048xi32, #tpu.memory_space<vmem>>, vector<16xi32>,
      %gather3A_335 = tpu.vector_load_idx %arg6[%get3A_334] : memref<32000xf32, #tpu.memory_space<vmem>>[vector<16xi32>], vector<16xf32>,
      %add3A_336 = arith.constant 112 : i32
      %add3A_337 = arith.addi %mul3A_211, %add3A_336 : i32
      %add3A_338 = vector.broadcast %add3A_337 : i32 to vector<16xi32>
      %add3A_339 = arith.addi %add3A_338, %iota3A : vector<16xi32>
      %lt3A_340 = vector.broadcast %max3A_109 : i32 to vector<16xi32>
      %lt3A_341 = arith.cmpi slt, %add3A_339, %lt3A_340 : vector<16xi32>
      %broadcast_in_dim3A_342 = arith.constant 0.000000e+00 : f32
      %broadcast_in_dim3A_343 = vector.broadcast %broadcast_in_dim3A_342 : f32 to vector<16xf32>
      %select_n3A_344 = arith.select %lt3A_341, %gather3A_335, %broadcast_in_dim3A_343 : vector<16xi1>, vector<16xf32>
      %add3A_345 = arith.addf %add3A_328, %select_n3A_344 : vector<16xf32>
      scf.yield %add3A_345 : vector<16xf32>
    }
    %while3A_149 = arith.constant 1 : i32
    %while3A_150 = scf.for %while3A_208 = %while3A_146 to %while3A_142 step %while3A_149 iter_args(%while3A_209 = %while3A_148) -> (vector<16xf32>)  : i32 {
      %mul3A_210 = arith.constant 128 : i32
      %mul3A_211 = arith.muli %while3A_208, %mul3A_210 : i32
      %add3A_212 = arith.constant 0 : i32
      %add3A_213 = arith.addi %mul3A_211, %add3A_212 : i32
      %get3A = arith.constant 2 : i32
      %get3A_214 = arith.index_cast %get3A : i32 to index
      %get3A_215 = arith.index_cast %add3A_213 : i32 to index
      %get3A_216 = tpu.vector_load %arg7[%get3A_214, %get3A_215] {strides = array<i32>} : memref<4x2048xi32, #tpu.memory_space<vmem>>, vector<16xi32>,
      %gather3A_217 = tpu.vector_load_idx %arg6[%get3A_216] : memref<32000xf32, #tpu.memory_space<vmem>>[vector<16xi32>], vector<16xf32>,
      %add3A_218 = arith.constant 0 : i32
      %add3A_219 = arith.addi %mul3A_211, %add3A_218 : i32
      %add3A_220 = vector.broadcast %add3A_219 : i32 to vector<16xi32>
      %add3A_221 = arith.addi %add3A_220, %iota3A : vector<16xi32>
      %lt3A = vector.broadcast %max3A_109 : i32 to vector<16xi32>
      %lt3A_222 = arith.cmpi slt, %add3A_221, %lt3A : vector<16xi32>
      %broadcast_in_dim3A_223 = arith.constant 0.000000e+00 : f32
      %broadcast_in_dim3A_224 = vector.broadcast %broadcast_in_dim3A_223 : f32 to vector<16xf32>
      %select_n3A_225 = arith.select %lt3A_222, %gather3A_217, %broadcast_in_dim3A_224 : vector<16xi1>, vector<16xf32>
      %add3A_226 = arith.addf %while3A_209, %select_n3A_225 : vector<16xf32>
      %add3A_227 = arith.constant 16 : i32
      %add3A_228 = arith.addi %mul3A_211, %add3A_227 : i32
      %get3A_229 = arith.constant 2 : i32
      %get3A_230 = arith.index_cast %get3A_229 : i32 to index
      %get3A_231 = arith.index_cast %add3A_228 : i32 to index
      %get3A_232 = tpu.vector_load %arg7[%get3A_230, %get3A_231] {strides = array<i32>} : memref<4x2048xi32, #tpu.memory_space<vmem>>, vector<16xi32>,
      %gather3A_233 = tpu.vector_load_idx %arg6[%get3A_232] : memref<32000xf32, #tpu.memory_space<vmem>>[vector<16xi32>], vector<16xf32>,
      %add3A_234 = arith.constant 16 : i32
      %add3A_235 = arith.addi %mul3A_211, %add3A_234 : i32
      %add3A_236 = vector.broadcast %add3A_235 : i32 to vector<16xi32>
      %add3A_237 = arith.addi %add3A_236, %iota3A : vector<16xi32>
      %lt3A_238 = vector.broadcast %max3A_109 : i32 to vector<16xi32>
      %lt3A_239 = arith.cmpi slt, %add3A_237, %lt3A_238 : vector<16xi32>
      %broadcast_in_dim3A_240 = arith.constant 0.000000e+00 : f32
      %broadcast_in_dim3A_241 = vector.broadcast %broadcast_in_dim3A_240 : f32 to vector<16xf32>
      %select_n3A_242 = arith.select %lt3A_239, %gather3A_233, %broadcast_in_dim3A_241 : vector<16xi1>, vector<16xf32>
      %add3A_243 = arith.addf %add3A_226, %select_n3A_242 : vector<16xf32>
      %add3A_244 = arith.constant 32 : i32
      %add3A_245 = arith.addi %mul3A_211, %add3A_244 : i32
      %get3A_246 = arith.constant 2 : i32
      %get3A_247 = arith.index_cast %get3A_246 : i32 to index
      %get3A_248 = arith.index_cast %add3A_245 : i32 to index
      %get3A_249 = tpu.vector_load %arg7[%get3A_247, %get3A_248] {strides = array<i32>} : memref<4x2048xi32, #tpu.memory_space<vmem>>, vector<16xi32>,
      %gather3A_250 = tpu.vector_load_idx %arg6[%get3A_249] : memref<32000xf32, #tpu.memory_space<vmem>>[vector<16xi32>], vector<16xf32>,
      %add3A_251 = arith.constant 32 : i32
      %add3A_252 = arith.addi %mul3A_211, %add3A_251 : i32
      %add3A_253 = vector.broadcast %add3A_252 : i32 to vector<16xi32>
      %add3A_254 = arith.addi %add3A_253, %iota3A : vector<16xi32>
      %lt3A_255 = vector.broadcast %max3A_109 : i32 to vector<16xi32>
      %lt3A_256 = arith.cmpi slt, %add3A_254, %lt3A_255 : vector<16xi32>
      %broadcast_in_dim3A_257 = arith.constant 0.000000e+00 : f32
      %broadcast_in_dim3A_258 = vector.broadcast %broadcast_in_dim3A_257 : f32 to vector<16xf32>
      %select_n3A_259 = arith.select %lt3A_256, %gather3A_250, %broadcast_in_dim3A_258 : vector<16xi1>, vector<16xf32>
      %add3A_260 = arith.addf %add3A_243, %select_n3A_259 : vector<16xf32>
      %add3A_261 = arith.constant 48 : i32
      %add3A_262 = arith.addi %mul3A_211, %add3A_261 : i32
      %get3A_263 = arith.constant 2 : i32
      %get3A_264 = arith.index_cast %get3A_263 : i32 to index
      %get3A_265 = arith.index_cast %add3A_262 : i32 to index
      %get3A_266 = tpu.vector_load %arg7[%get3A_264, %get3A_265] {strides = array<i32>} : memref<4x2048xi32, #tpu.memory_space<vmem>>, vector<16xi32>,
      %gather3A_267 = tpu.vector_load_idx %arg6[%get3A_266] : memref<32000xf32, #tpu.memory_space<vmem>>[vector<16xi32>], vector<16xf32>,
      %add3A_268 = arith.constant 48 : i32
      %add3A_269 = arith.addi %mul3A_211, %add3A_268 : i32
      %add3A_270 = vector.broadcast %add3A_269 : i32 to vector<16xi32>
      %add3A_271 = arith.addi %add3A_270, %iota3A : vector<16xi32>
      %lt3A_272 = vector.broadcast %max3A_109 : i32 to vector<16xi32>
      %lt3A_273 = arith.cmpi slt, %add3A_271, %lt3A_272 : vector<16xi32>
      %broadcast_in_dim3A_274 = arith.constant 0.000000e+00 : f32
      %broadcast_in_dim3A_275 = vector.broadcast %broadcast_in_dim3A_274 : f32 to vector<16xf32>
      %select_n3A_276 = arith.select %lt3A_273, %gather3A_267, %broadcast_in_dim3A_275 : vector<16xi1>, vector<16xf32>
      %add3A_277 = arith.addf %add3A_260, %select_n3A_276 : vector<16xf32>
      %add3A_278 = arith.constant 64 : i32
      %add3A_279 = arith.addi %mul3A_211, %add3A_278 : i32
      %get3A_280 = arith.constant 2 : i32
      %get3A_281 = arith.index_cast %get3A_280 : i32 to index
      %get3A_282 = arith.index_cast %add3A_279 : i32 to index
      %get3A_283 = tpu.vector_load %arg7[%get3A_281, %get3A_282] {strides = array<i32>} : memref<4x2048xi32, #tpu.memory_space<vmem>>, vector<16xi32>,
      %gather3A_284 = tpu.vector_load_idx %arg6[%get3A_283] : memref<32000xf32, #tpu.memory_space<vmem>>[vector<16xi32>], vector<16xf32>,
      %add3A_285 = arith.constant 64 : i32
      %add3A_286 = arith.addi %mul3A_211, %add3A_285 : i32
      %add3A_287 = vector.broadcast %add3A_286 : i32 to vector<16xi32>
      %add3A_288 = arith.addi %add3A_287, %iota3A : vector<16xi32>
      %lt3A_289 = vector.broadcast %max3A_109 : i32 to vector<16xi32>
      %lt3A_290 = arith.cmpi slt, %add3A_288, %lt3A_289 : vector<16xi32>
      %broadcast_in_dim3A_291 = arith.constant 0.000000e+00 : f32
      %broadcast_in_dim3A_292 = vector.broadcast %broadcast_in_dim3A_291 : f32 to vector<16xf32>
      %select_n3A_293 = arith.select %lt3A_290, %gather3A_284, %broadcast_in_dim3A_292 : vector<16xi1>, vector<16xf32>
      %add3A_294 = arith.addf %add3A_277, %select_n3A_293 : vector<16xf32>
      %add3A_295 = arith.constant 80 : i32
      %add3A_296 = arith.addi %mul3A_211, %add3A_295 : i32
      %get3A_297 = arith.constant 2 : i32
      %get3A_298 = arith.index_cast %get3A_297 : i32 to index
      %get3A_299 = arith.index_cast %add3A_296 : i32 to index
      %get3A_300 = tpu.vector_load %arg7[%get3A_298, %get3A_299] {strides = array<i32>} : memref<4x2048xi32, #tpu.memory_space<vmem>>, vector<16xi32>,
      %gather3A_301 = tpu.vector_load_idx %arg6[%get3A_300] : memref<32000xf32, #tpu.memory_space<vmem>>[vector<16xi32>], vector<16xf32>,
      %add3A_302 = arith.constant 80 : i32
      %add3A_303 = arith.addi %mul3A_211, %add3A_302 : i32
      %add3A_304 = vector.broadcast %add3A_303 : i32 to vector<16xi32>
      %add3A_305 = arith.addi %add3A_304, %iota3A : vector<16xi32>
      %lt3A_306 = vector.broadcast %max3A_109 : i32 to vector<16xi32>
      %lt3A_307 = arith.cmpi slt, %add3A_305, %lt3A_306 : vector<16xi32>
      %broadcast_in_dim3A_308 = arith.constant 0.000000e+00 : f32
      %broadcast_in_dim3A_309 = vector.broadcast %broadcast_in_dim3A_308 : f32 to vector<16xf32>
      %select_n3A_310 = arith.select %lt3A_307, %gather3A_301, %broadcast_in_dim3A_309 : vector<16xi1>, vector<16xf32>
      %add3A_311 = arith.addf %add3A_294, %select_n3A_310 : vector<16xf32>
      %add3A_312 = arith.constant 96 : i32
      %add3A_313 = arith.addi %mul3A_211, %add3A_312 : i32
      %get3A_314 = arith.constant 2 : i32
      %get3A_315 = arith.index_cast %get3A_314 : i32 to index
      %get3A_316 = arith.index_cast %add3A_313 : i32 to index
      %get3A_317 = tpu.vector_load %arg7[%get3A_315, %get3A_316] {strides = array<i32>} : memref<4x2048xi32, #tpu.memory_space<vmem>>, vector<16xi32>,
      %gather3A_318 = tpu.vector_load_idx %arg6[%get3A_317] : memref<32000xf32, #tpu.memory_space<vmem>>[vector<16xi32>], vector<16xf32>,
      %add3A_319 = arith.constant 96 : i32
      %add3A_320 = arith.addi %mul3A_211, %add3A_319 : i32
      %add3A_321 = vector.broadcast %add3A_320 : i32 to vector<16xi32>
      %add3A_322 = arith.addi %add3A_321, %iota3A : vector<16xi32>
      %lt3A_323 = vector.broadcast %max3A_109 : i32 to vector<16xi32>
      %lt3A_324 = arith.cmpi slt, %add3A_322, %lt3A_323 : vector<16xi32>
      %broadcast_in_dim3A_325 = arith.constant 0.000000e+00 : f32
      %broadcast_in_dim3A_326 = vector.broadcast %broadcast_in_dim3A_325 : f32 to vector<16xf32>
      %select_n3A_327 = arith.select %lt3A_324, %gather3A_318, %broadcast_in_dim3A_326 : vector<16xi1>, vector<16xf32>
      %add3A_328 = arith.addf %add3A_311, %select_n3A_327 : vector<16xf32>
      %add3A_329 = arith.constant 112 : i32
      %add3A_330 = arith.addi %mul3A_211, %add3A_329 : i32
      %get3A_331 = arith.constant 2 : i32
      %get3A_332 = arith.index_cast %get3A_331 : i32 to index
      %get3A_333 = arith.index_cast %add3A_330 : i32 to index
      %get3A_334 = tpu.vector_load %arg7[%get3A_332, %get3A_333] {strides = array<i32>} : memref<4x2048xi32, #tpu.memory_space<vmem>>, vector<16xi32>,
      %gather3A_335 = tpu.vector_load_idx %arg6[%get3A_334] : memref<32000xf32, #tpu.memory_space<vmem>>[vector<16xi32>], vector<16xf32>,
      %add3A_336 = arith.constant 112 : i32
      %add3A_337 = arith.addi %mul3A_211, %add3A_336 : i32
      %add3A_338 = vector.broadcast %add3A_337 : i32 to vector<16xi32>
      %add3A_339 = arith.addi %add3A_338, %iota3A : vector<16xi32>
      %lt3A_340 = vector.broadcast %max3A_109 : i32 to vector<16xi32>
      %lt3A_341 = arith.cmpi slt, %add3A_339, %lt3A_340 : vector<16xi32>
      %broadcast_in_dim3A_342 = arith.constant 0.000000e+00 : f32
      %broadcast_in_dim3A_343 = vector.broadcast %broadcast_in_dim3A_342 : f32 to vector<16xf32>
      %select_n3A_344 = arith.select %lt3A_341, %gather3A_335, %broadcast_in_dim3A_343 : vector<16xi1>, vector<16xf32>
      %add3A_345 = arith.addf %add3A_328, %select_n3A_344 : vector<16xf32>
      scf.yield %add3A_345 : vector<16xf32>
    }
    %swap3A_151 = arith.constant 2 : i32
    %swap3A_152 = arith.index_cast %swap3A_151 : i32 to index
    %swap3A_153 = arith.constant 0 : index
    %swap3A_154 = tpu.vector_load %arg9[%swap3A_152, %swap3A_153] {strides = array<i32>} : memref<4x16xf32, #tpu.memory_space<vmem>>, vector<16xf32>,
    tpu.vector_store %arg9[%swap3A_152, %swap3A_153], %while3A_150 {strides = array<i32>} : memref<4x16xf32, #tpu.memory_space<vmem>>, vector<16xf32>,
    %add3A_155 = arith.constant 3 : i32
    %add3A_156 = arith.addi %mul3A_2, %add3A_155 : i32
    %broadcast_in_dim3A_157 = vector.broadcast %add3A_156 : i32 to vector<16xi32>
    %gather3A_158 = tpu.vector_load_idx %arg8[%broadcast_in_dim3A_157] : memref<128xi32, #tpu.memory_space<vmem>>[vector<16xi32>], vector<16xi32>,
    %slice3A_159 = vector.extract_strided_slice %gather3A_158 {offsets = [0], sizes = [1], strides = [1]} : vector<16xi32> to vector<1xi32>
    %squeeze3A_160 = vector.extract %slice3A_159[0] : i32 from vector<1xi32>
    %max3A_161 = arith.constant 1 : i32
    %max3A_162 = arith.maxsi %squeeze3A_160, %max3A_161 : i32
    %add3A_163 = arith.constant 128 : i32
    %add3A_164 = arith.addi %max3A_162, %add3A_163 : i32
    %sub3A_165 = arith.constant 1 : i32
    %sub3A_166 = arith.subi %add3A_164, %sub3A_165 : i32
    %jit3A_167 = arith.constant 128 : i32
    %div3A_168 = arith.divsi %sub3A_166, %jit3A_167 : i32
    %sign3A_169 = arith.constant 0 : i32
    %sign3A_170 = arith.cmpi sgt, %sub3A_166, %sign3A_169 : i32
    %sign3A_171 = arith.extui %sign3A_170 : i1 to i32
    %sign3A_172 = arith.constant 0 : i32
    %sign3A_173 = arith.cmpi slt, %sub3A_166, %sign3A_172 : i32
    %sign3A_174 = arith.extui %sign3A_173 : i1 to i32
    %sign3A_175 = arith.subi %sign3A_171, %sign3A_174 : i32
    %sign3A_176 = arith.constant 0 : i32
    %sign3A_177 = arith.cmpi sgt, %jit3A_167, %sign3A_176 : i32
    %sign3A_178 = arith.extui %sign3A_177 : i1 to i32
    %sign3A_179 = arith.constant 0 : i32
    %sign3A_180 = arith.cmpi slt, %jit3A_167, %sign3A_179 : i32
    %sign3A_181 = arith.extui %sign3A_180 : i1 to i32
    %sign3A_182 = arith.subi %sign3A_178, %sign3A_181 : i32
    %ne3A_183 = arith.cmpi ne, %sign3A_175, %sign3A_182 : i32
    %rem3A_184 = arith.remsi %sub3A_166, %jit3A_167 : i32
    %ne3A_185 = arith.constant 0 : i32
    %ne3A_186 = arith.cmpi ne, %rem3A_184, %ne3A_185 : i32
    %and3A_187 = arith.andi %ne3A_183, %ne3A_186 : i1
    %sub3A_188 = arith.constant 1 : i32
    %sub3A_189 = arith.subi %div3A_168, %sub3A_188 : i32
    %select_n3A_190 = arith.select %and3A_187, %sub3A_189, %div3A_168 : i32
    %broadcast_in_dim3A_191 = arith.constant 0.000000e+00 : f32
    %broadcast_in_dim3A_192 = vector.broadcast %broadcast_in_dim3A_191 : f32 to vector<16xf32>
    %while3A_193 = arith.constant 0 : i32
    %while3A_194 = arith.subi %select_n3A_190, %while3A_193 : i32
    %while3A_195 = arith.addi %while3A_193, %while3A_194 : i32
    %while3A_196 = arith.constant 1 : i32
    %while3A_197 = arith.divsi %while3A_194, %while3A_196 : i32
    %while3A_198 = arith.muli %while3A_197, %while3A_196 : i32
    %while3A_199 = arith.addi %while3A_193, %while3A_198 : i32
    %while3A_200 = arith.constant 1 : i32
    %while3A_201 = scf.for %while3A_208 = %while3A_193 to %while3A_199 step %while3A_200 iter_args(%while3A_209 = %broadcast_in_dim3A_192) -> (vector<16xf32>)  : i32 {
      %mul3A_210 = arith.constant 128 : i32
      %mul3A_211 = arith.muli %while3A_208, %mul3A_210 : i32
      %add3A_212 = arith.constant 0 : i32
      %add3A_213 = arith.addi %mul3A_211, %add3A_212 : i32
      %get3A = arith.constant 3 : i32
      %get3A_214 = arith.index_cast %get3A : i32 to index
      %get3A_215 = arith.index_cast %add3A_213 : i32 to index
      %get3A_216 = tpu.vector_load %arg7[%get3A_214, %get3A_215] {strides = array<i32>} : memref<4x2048xi32, #tpu.memory_space<vmem>>, vector<16xi32>,
      %gather3A_217 = tpu.vector_load_idx %arg6[%get3A_216] : memref<32000xf32, #tpu.memory_space<vmem>>[vector<16xi32>], vector<16xf32>,
      %add3A_218 = arith.constant 0 : i32
      %add3A_219 = arith.addi %mul3A_211, %add3A_218 : i32
      %add3A_220 = vector.broadcast %add3A_219 : i32 to vector<16xi32>
      %add3A_221 = arith.addi %add3A_220, %iota3A : vector<16xi32>
      %lt3A = vector.broadcast %max3A_162 : i32 to vector<16xi32>
      %lt3A_222 = arith.cmpi slt, %add3A_221, %lt3A : vector<16xi32>
      %broadcast_in_dim3A_223 = arith.constant 0.000000e+00 : f32
      %broadcast_in_dim3A_224 = vector.broadcast %broadcast_in_dim3A_223 : f32 to vector<16xf32>
      %select_n3A_225 = arith.select %lt3A_222, %gather3A_217, %broadcast_in_dim3A_224 : vector<16xi1>, vector<16xf32>
      %add3A_226 = arith.addf %while3A_209, %select_n3A_225 : vector<16xf32>
      %add3A_227 = arith.constant 16 : i32
      %add3A_228 = arith.addi %mul3A_211, %add3A_227 : i32
      %get3A_229 = arith.constant 3 : i32
      %get3A_230 = arith.index_cast %get3A_229 : i32 to index
      %get3A_231 = arith.index_cast %add3A_228 : i32 to index
      %get3A_232 = tpu.vector_load %arg7[%get3A_230, %get3A_231] {strides = array<i32>} : memref<4x2048xi32, #tpu.memory_space<vmem>>, vector<16xi32>,
      %gather3A_233 = tpu.vector_load_idx %arg6[%get3A_232] : memref<32000xf32, #tpu.memory_space<vmem>>[vector<16xi32>], vector<16xf32>,
      %add3A_234 = arith.constant 16 : i32
      %add3A_235 = arith.addi %mul3A_211, %add3A_234 : i32
      %add3A_236 = vector.broadcast %add3A_235 : i32 to vector<16xi32>
      %add3A_237 = arith.addi %add3A_236, %iota3A : vector<16xi32>
      %lt3A_238 = vector.broadcast %max3A_162 : i32 to vector<16xi32>
      %lt3A_239 = arith.cmpi slt, %add3A_237, %lt3A_238 : vector<16xi32>
      %broadcast_in_dim3A_240 = arith.constant 0.000000e+00 : f32
      %broadcast_in_dim3A_241 = vector.broadcast %broadcast_in_dim3A_240 : f32 to vector<16xf32>
      %select_n3A_242 = arith.select %lt3A_239, %gather3A_233, %broadcast_in_dim3A_241 : vector<16xi1>, vector<16xf32>
      %add3A_243 = arith.addf %add3A_226, %select_n3A_242 : vector<16xf32>
      %add3A_244 = arith.constant 32 : i32
      %add3A_245 = arith.addi %mul3A_211, %add3A_244 : i32
      %get3A_246 = arith.constant 3 : i32
      %get3A_247 = arith.index_cast %get3A_246 : i32 to index
      %get3A_248 = arith.index_cast %add3A_245 : i32 to index
      %get3A_249 = tpu.vector_load %arg7[%get3A_247, %get3A_248] {strides = array<i32>} : memref<4x2048xi32, #tpu.memory_space<vmem>>, vector<16xi32>,
      %gather3A_250 = tpu.vector_load_idx %arg6[%get3A_249] : memref<32000xf32, #tpu.memory_space<vmem>>[vector<16xi32>], vector<16xf32>,
      %add3A_251 = arith.constant 32 : i32
      %add3A_252 = arith.addi %mul3A_211, %add3A_251 : i32
      %add3A_253 = vector.broadcast %add3A_252 : i32 to vector<16xi32>
      %add3A_254 = arith.addi %add3A_253, %iota3A : vector<16xi32>
      %lt3A_255 = vector.broadcast %max3A_162 : i32 to vector<16xi32>
      %lt3A_256 = arith.cmpi slt, %add3A_254, %lt3A_255 : vector<16xi32>
      %broadcast_in_dim3A_257 = arith.constant 0.000000e+00 : f32
      %broadcast_in_dim3A_258 = vector.broadcast %broadcast_in_dim3A_257 : f32 to vector<16xf32>
      %select_n3A_259 = arith.select %lt3A_256, %gather3A_250, %broadcast_in_dim3A_258 : vector<16xi1>, vector<16xf32>
      %add3A_260 = arith.addf %add3A_243, %select_n3A_259 : vector<16xf32>
      %add3A_261 = arith.constant 48 : i32
      %add3A_262 = arith.addi %mul3A_211, %add3A_261 : i32
      %get3A_263 = arith.constant 3 : i32
      %get3A_264 = arith.index_cast %get3A_263 : i32 to index
      %get3A_265 = arith.index_cast %add3A_262 : i32 to index
      %get3A_266 = tpu.vector_load %arg7[%get3A_264, %get3A_265] {strides = array<i32>} : memref<4x2048xi32, #tpu.memory_space<vmem>>, vector<16xi32>,
      %gather3A_267 = tpu.vector_load_idx %arg6[%get3A_266] : memref<32000xf32, #tpu.memory_space<vmem>>[vector<16xi32>], vector<16xf32>,
      %add3A_268 = arith.constant 48 : i32
      %add3A_269 = arith.addi %mul3A_211, %add3A_268 : i32
      %add3A_270 = vector.broadcast %add3A_269 : i32 to vector<16xi32>
      %add3A_271 = arith.addi %add3A_270, %iota3A : vector<16xi32>
      %lt3A_272 = vector.broadcast %max3A_162 : i32 to vector<16xi32>
      %lt3A_273 = arith.cmpi slt, %add3A_271, %lt3A_272 : vector<16xi32>
      %broadcast_in_dim3A_274 = arith.constant 0.000000e+00 : f32
      %broadcast_in_dim3A_275 = vector.broadcast %broadcast_in_dim3A_274 : f32 to vector<16xf32>
      %select_n3A_276 = arith.select %lt3A_273, %gather3A_267, %broadcast_in_dim3A_275 : vector<16xi1>, vector<16xf32>
      %add3A_277 = arith.addf %add3A_260, %select_n3A_276 : vector<16xf32>
      %add3A_278 = arith.constant 64 : i32
      %add3A_279 = arith.addi %mul3A_211, %add3A_278 : i32
      %get3A_280 = arith.constant 3 : i32
      %get3A_281 = arith.index_cast %get3A_280 : i32 to index
      %get3A_282 = arith.index_cast %add3A_279 : i32 to index
      %get3A_283 = tpu.vector_load %arg7[%get3A_281, %get3A_282] {strides = array<i32>} : memref<4x2048xi32, #tpu.memory_space<vmem>>, vector<16xi32>,
      %gather3A_284 = tpu.vector_load_idx %arg6[%get3A_283] : memref<32000xf32, #tpu.memory_space<vmem>>[vector<16xi32>], vector<16xf32>,
      %add3A_285 = arith.constant 64 : i32
      %add3A_286 = arith.addi %mul3A_211, %add3A_285 : i32
      %add3A_287 = vector.broadcast %add3A_286 : i32 to vector<16xi32>
      %add3A_288 = arith.addi %add3A_287, %iota3A : vector<16xi32>
      %lt3A_289 = vector.broadcast %max3A_162 : i32 to vector<16xi32>
      %lt3A_290 = arith.cmpi slt, %add3A_288, %lt3A_289 : vector<16xi32>
      %broadcast_in_dim3A_291 = arith.constant 0.000000e+00 : f32
      %broadcast_in_dim3A_292 = vector.broadcast %broadcast_in_dim3A_291 : f32 to vector<16xf32>
      %select_n3A_293 = arith.select %lt3A_290, %gather3A_284, %broadcast_in_dim3A_292 : vector<16xi1>, vector<16xf32>
      %add3A_294 = arith.addf %add3A_277, %select_n3A_293 : vector<16xf32>
      %add3A_295 = arith.constant 80 : i32
      %add3A_296 = arith.addi %mul3A_211, %add3A_295 : i32
      %get3A_297 = arith.constant 3 : i32
      %get3A_298 = arith.index_cast %get3A_297 : i32 to index
      %get3A_299 = arith.index_cast %add3A_296 : i32 to index
      %get3A_300 = tpu.vector_load %arg7[%get3A_298, %get3A_299] {strides = array<i32>} : memref<4x2048xi32, #tpu.memory_space<vmem>>, vector<16xi32>,
      %gather3A_301 = tpu.vector_load_idx %arg6[%get3A_300] : memref<32000xf32, #tpu.memory_space<vmem>>[vector<16xi32>], vector<16xf32>,
      %add3A_302 = arith.constant 80 : i32
      %add3A_303 = arith.addi %mul3A_211, %add3A_302 : i32
      %add3A_304 = vector.broadcast %add3A_303 : i32 to vector<16xi32>
      %add3A_305 = arith.addi %add3A_304, %iota3A : vector<16xi32>
      %lt3A_306 = vector.broadcast %max3A_162 : i32 to vector<16xi32>
      %lt3A_307 = arith.cmpi slt, %add3A_305, %lt3A_306 : vector<16xi32>
      %broadcast_in_dim3A_308 = arith.constant 0.000000e+00 : f32
      %broadcast_in_dim3A_309 = vector.broadcast %broadcast_in_dim3A_308 : f32 to vector<16xf32>
      %select_n3A_310 = arith.select %lt3A_307, %gather3A_301, %broadcast_in_dim3A_309 : vector<16xi1>, vector<16xf32>
      %add3A_311 = arith.addf %add3A_294, %select_n3A_310 : vector<16xf32>
      %add3A_312 = arith.constant 96 : i32
      %add3A_313 = arith.addi %mul3A_211, %add3A_312 : i32
      %get3A_314 = arith.constant 3 : i32
      %get3A_315 = arith.index_cast %get3A_314 : i32 to index
      %get3A_316 = arith.index_cast %add3A_313 : i32 to index
      %get3A_317 = tpu.vector_load %arg7[%get3A_315, %get3A_316] {strides = array<i32>} : memref<4x2048xi32, #tpu.memory_space<vmem>>, vector<16xi32>,
      %gather3A_318 = tpu.vector_load_idx %arg6[%get3A_317] : memref<32000xf32, #tpu.memory_space<vmem>>[vector<16xi32>], vector<16xf32>,
      %add3A_319 = arith.constant 96 : i32
      %add3A_320 = arith.addi %mul3A_211, %add3A_319 : i32
      %add3A_321 = vector.broadcast %add3A_320 : i32 to vector<16xi32>
      %add3A_322 = arith.addi %add3A_321, %iota3A : vector<16xi32>
      %lt3A_323 = vector.broadcast %max3A_162 : i32 to vector<16xi32>
      %lt3A_324 = arith.cmpi slt, %add3A_322, %lt3A_323 : vector<16xi32>
      %broadcast_in_dim3A_325 = arith.constant 0.000000e+00 : f32
      %broadcast_in_dim3A_326 = vector.broadcast %broadcast_in_dim3A_325 : f32 to vector<16xf32>
      %select_n3A_327 = arith.select %lt3A_324, %gather3A_318, %broadcast_in_dim3A_326 : vector<16xi1>, vector<16xf32>
      %add3A_328 = arith.addf %add3A_311, %select_n3A_327 : vector<16xf32>
      %add3A_329 = arith.constant 112 : i32
      %add3A_330 = arith.addi %mul3A_211, %add3A_329 : i32
      %get3A_331 = arith.constant 3 : i32
      %get3A_332 = arith.index_cast %get3A_331 : i32 to index
      %get3A_333 = arith.index_cast %add3A_330 : i32 to index
      %get3A_334 = tpu.vector_load %arg7[%get3A_332, %get3A_333] {strides = array<i32>} : memref<4x2048xi32, #tpu.memory_space<vmem>>, vector<16xi32>,
      %gather3A_335 = tpu.vector_load_idx %arg6[%get3A_334] : memref<32000xf32, #tpu.memory_space<vmem>>[vector<16xi32>], vector<16xf32>,
      %add3A_336 = arith.constant 112 : i32
      %add3A_337 = arith.addi %mul3A_211, %add3A_336 : i32
      %add3A_338 = vector.broadcast %add3A_337 : i32 to vector<16xi32>
      %add3A_339 = arith.addi %add3A_338, %iota3A : vector<16xi32>
      %lt3A_340 = vector.broadcast %max3A_162 : i32 to vector<16xi32>
      %lt3A_341 = arith.cmpi slt, %add3A_339, %lt3A_340 : vector<16xi32>
      %broadcast_in_dim3A_342 = arith.constant 0.000000e+00 : f32
      %broadcast_in_dim3A_343 = vector.broadcast %broadcast_in_dim3A_342 : f32 to vector<16xf32>
      %select_n3A_344 = arith.select %lt3A_341, %gather3A_335, %broadcast_in_dim3A_343 : vector<16xi1>, vector<16xf32>
      %add3A_345 = arith.addf %add3A_328, %select_n3A_344 : vector<16xf32>
      scf.yield %add3A_345 : vector<16xf32>
    }
    %while3A_202 = arith.constant 1 : i32
    %while3A_203 = scf.for %while3A_208 = %while3A_199 to %while3A_195 step %while3A_202 iter_args(%while3A_209 = %while3A_201) -> (vector<16xf32>)  : i32 {
      %mul3A_210 = arith.constant 128 : i32
      %mul3A_211 = arith.muli %while3A_208, %mul3A_210 : i32
      %add3A_212 = arith.constant 0 : i32
      %add3A_213 = arith.addi %mul3A_211, %add3A_212 : i32
      %get3A = arith.constant 3 : i32
      %get3A_214 = arith.index_cast %get3A : i32 to index
      %get3A_215 = arith.index_cast %add3A_213 : i32 to index
      %get3A_216 = tpu.vector_load %arg7[%get3A_214, %get3A_215] {strides = array<i32>} : memref<4x2048xi32, #tpu.memory_space<vmem>>, vector<16xi32>,
      %gather3A_217 = tpu.vector_load_idx %arg6[%get3A_216] : memref<32000xf32, #tpu.memory_space<vmem>>[vector<16xi32>], vector<16xf32>,
      %add3A_218 = arith.constant 0 : i32
      %add3A_219 = arith.addi %mul3A_211, %add3A_218 : i32
      %add3A_220 = vector.broadcast %add3A_219 : i32 to vector<16xi32>
      %add3A_221 = arith.addi %add3A_220, %iota3A : vector<16xi32>
      %lt3A = vector.broadcast %max3A_162 : i32 to vector<16xi32>
      %lt3A_222 = arith.cmpi slt, %add3A_221, %lt3A : vector<16xi32>
      %broadcast_in_dim3A_223 = arith.constant 0.000000e+00 : f32
      %broadcast_in_dim3A_224 = vector.broadcast %broadcast_in_dim3A_223 : f32 to vector<16xf32>
      %select_n3A_225 = arith.select %lt3A_222, %gather3A_217, %broadcast_in_dim3A_224 : vector<16xi1>, vector<16xf32>
      %add3A_226 = arith.addf %while3A_209, %select_n3A_225 : vector<16xf32>
      %add3A_227 = arith.constant 16 : i32
      %add3A_228 = arith.addi %mul3A_211, %add3A_227 : i32
      %get3A_229 = arith.constant 3 : i32
      %get3A_230 = arith.index_cast %get3A_229 : i32 to index
      %get3A_231 = arith.index_cast %add3A_228 : i32 to index
      %get3A_232 = tpu.vector_load %arg7[%get3A_230, %get3A_231] {strides = array<i32>} : memref<4x2048xi32, #tpu.memory_space<vmem>>, vector<16xi32>,
      %gather3A_233 = tpu.vector_load_idx %arg6[%get3A_232] : memref<32000xf32, #tpu.memory_space<vmem>>[vector<16xi32>], vector<16xf32>,
      %add3A_234 = arith.constant 16 : i32
      %add3A_235 = arith.addi %mul3A_211, %add3A_234 : i32
      %add3A_236 = vector.broadcast %add3A_235 : i32 to vector<16xi32>
      %add3A_237 = arith.addi %add3A_236, %iota3A : vector<16xi32>
      %lt3A_238 = vector.broadcast %max3A_162 : i32 to vector<16xi32>
      %lt3A_239 = arith.cmpi slt, %add3A_237, %lt3A_238 : vector<16xi32>
      %broadcast_in_dim3A_240 = arith.constant 0.000000e+00 : f32
      %broadcast_in_dim3A_241 = vector.broadcast %broadcast_in_dim3A_240 : f32 to vector<16xf32>
      %select_n3A_242 = arith.select %lt3A_239, %gather3A_233, %broadcast_in_dim3A_241 : vector<16xi1>, vector<16xf32>
      %add3A_243 = arith.addf %add3A_226, %select_n3A_242 : vector<16xf32>
      %add3A_244 = arith.constant 32 : i32
      %add3A_245 = arith.addi %mul3A_211, %add3A_244 : i32
      %get3A_246 = arith.constant 3 : i32
      %get3A_247 = arith.index_cast %get3A_246 : i32 to index
      %get3A_248 = arith.index_cast %add3A_245 : i32 to index
      %get3A_249 = tpu.vector_load %arg7[%get3A_247, %get3A_248] {strides = array<i32>} : memref<4x2048xi32, #tpu.memory_space<vmem>>, vector<16xi32>,
      %gather3A_250 = tpu.vector_load_idx %arg6[%get3A_249] : memref<32000xf32, #tpu.memory_space<vmem>>[vector<16xi32>], vector<16xf32>,
      %add3A_251 = arith.constant 32 : i32
      %add3A_252 = arith.addi %mul3A_211, %add3A_251 : i32
      %add3A_253 = vector.broadcast %add3A_252 : i32 to vector<16xi32>
      %add3A_254 = arith.addi %add3A_253, %iota3A : vector<16xi32>
      %lt3A_255 = vector.broadcast %max3A_162 : i32 to vector<16xi32>
      %lt3A_256 = arith.cmpi slt, %add3A_254, %lt3A_255 : vector<16xi32>
      %broadcast_in_dim3A_257 = arith.constant 0.000000e+00 : f32
      %broadcast_in_dim3A_258 = vector.broadcast %broadcast_in_dim3A_257 : f32 to vector<16xf32>
      %select_n3A_259 = arith.select %lt3A_256, %gather3A_250, %broadcast_in_dim3A_258 : vector<16xi1>, vector<16xf32>
      %add3A_260 = arith.addf %add3A_243, %select_n3A_259 : vector<16xf32>
      %add3A_261 = arith.constant 48 : i32
      %add3A_262 = arith.addi %mul3A_211, %add3A_261 : i32
      %get3A_263 = arith.constant 3 : i32
      %get3A_264 = arith.index_cast %get3A_263 : i32 to index
      %get3A_265 = arith.index_cast %add3A_262 : i32 to index
      %get3A_266 = tpu.vector_load %arg7[%get3A_264, %get3A_265] {strides = array<i32>} : memref<4x2048xi32, #tpu.memory_space<vmem>>, vector<16xi32>,
      %gather3A_267 = tpu.vector_load_idx %arg6[%get3A_266] : memref<32000xf32, #tpu.memory_space<vmem>>[vector<16xi32>], vector<16xf32>,
      %add3A_268 = arith.constant 48 : i32
      %add3A_269 = arith.addi %mul3A_211, %add3A_268 : i32
      %add3A_270 = vector.broadcast %add3A_269 : i32 to vector<16xi32>
      %add3A_271 = arith.addi %add3A_270, %iota3A : vector<16xi32>
      %lt3A_272 = vector.broadcast %max3A_162 : i32 to vector<16xi32>
      %lt3A_273 = arith.cmpi slt, %add3A_271, %lt3A_272 : vector<16xi32>
      %broadcast_in_dim3A_274 = arith.constant 0.000000e+00 : f32
      %broadcast_in_dim3A_275 = vector.broadcast %broadcast_in_dim3A_274 : f32 to vector<16xf32>
      %select_n3A_276 = arith.select %lt3A_273, %gather3A_267, %broadcast_in_dim3A_275 : vector<16xi1>, vector<16xf32>
      %add3A_277 = arith.addf %add3A_260, %select_n3A_276 : vector<16xf32>
      %add3A_278 = arith.constant 64 : i32
      %add3A_279 = arith.addi %mul3A_211, %add3A_278 : i32
      %get3A_280 = arith.constant 3 : i32
      %get3A_281 = arith.index_cast %get3A_280 : i32 to index
      %get3A_282 = arith.index_cast %add3A_279 : i32 to index
      %get3A_283 = tpu.vector_load %arg7[%get3A_281, %get3A_282] {strides = array<i32>} : memref<4x2048xi32, #tpu.memory_space<vmem>>, vector<16xi32>,
      %gather3A_284 = tpu.vector_load_idx %arg6[%get3A_283] : memref<32000xf32, #tpu.memory_space<vmem>>[vector<16xi32>], vector<16xf32>,
      %add3A_285 = arith.constant 64 : i32
      %add3A_286 = arith.addi %mul3A_211, %add3A_285 : i32
      %add3A_287 = vector.broadcast %add3A_286 : i32 to vector<16xi32>
      %add3A_288 = arith.addi %add3A_287, %iota3A : vector<16xi32>
      %lt3A_289 = vector.broadcast %max3A_162 : i32 to vector<16xi32>
      %lt3A_290 = arith.cmpi slt, %add3A_288, %lt3A_289 : vector<16xi32>
      %broadcast_in_dim3A_291 = arith.constant 0.000000e+00 : f32
      %broadcast_in_dim3A_292 = vector.broadcast %broadcast_in_dim3A_291 : f32 to vector<16xf32>
      %select_n3A_293 = arith.select %lt3A_290, %gather3A_284, %broadcast_in_dim3A_292 : vector<16xi1>, vector<16xf32>
      %add3A_294 = arith.addf %add3A_277, %select_n3A_293 : vector<16xf32>
      %add3A_295 = arith.constant 80 : i32
      %add3A_296 = arith.addi %mul3A_211, %add3A_295 : i32
      %get3A_297 = arith.constant 3 : i32
      %get3A_298 = arith.index_cast %get3A_297 : i32 to index
      %get3A_299 = arith.index_cast %add3A_296 : i32 to index
      %get3A_300 = tpu.vector_load %arg7[%get3A_298, %get3A_299] {strides = array<i32>} : memref<4x2048xi32, #tpu.memory_space<vmem>>, vector<16xi32>,
      %gather3A_301 = tpu.vector_load_idx %arg6[%get3A_300] : memref<32000xf32, #tpu.memory_space<vmem>>[vector<16xi32>], vector<16xf32>,
      %add3A_302 = arith.constant 80 : i32
      %add3A_303 = arith.addi %mul3A_211, %add3A_302 : i32
      %add3A_304 = vector.broadcast %add3A_303 : i32 to vector<16xi32>
      %add3A_305 = arith.addi %add3A_304, %iota3A : vector<16xi32>
      %lt3A_306 = vector.broadcast %max3A_162 : i32 to vector<16xi32>
      %lt3A_307 = arith.cmpi slt, %add3A_305, %lt3A_306 : vector<16xi32>
      %broadcast_in_dim3A_308 = arith.constant 0.000000e+00 : f32
      %broadcast_in_dim3A_309 = vector.broadcast %broadcast_in_dim3A_308 : f32 to vector<16xf32>
      %select_n3A_310 = arith.select %lt3A_307, %gather3A_301, %broadcast_in_dim3A_309 : vector<16xi1>, vector<16xf32>
      %add3A_311 = arith.addf %add3A_294, %select_n3A_310 : vector<16xf32>
      %add3A_312 = arith.constant 96 : i32
      %add3A_313 = arith.addi %mul3A_211, %add3A_312 : i32
      %get3A_314 = arith.constant 3 : i32
      %get3A_315 = arith.index_cast %get3A_314 : i32 to index
      %get3A_316 = arith.index_cast %add3A_313 : i32 to index
      %get3A_317 = tpu.vector_load %arg7[%get3A_315, %get3A_316] {strides = array<i32>} : memref<4x2048xi32, #tpu.memory_space<vmem>>, vector<16xi32>,
      %gather3A_318 = tpu.vector_load_idx %arg6[%get3A_317] : memref<32000xf32, #tpu.memory_space<vmem>>[vector<16xi32>], vector<16xf32>,
      %add3A_319 = arith.constant 96 : i32
      %add3A_320 = arith.addi %mul3A_211, %add3A_319 : i32
      %add3A_321 = vector.broadcast %add3A_320 : i32 to vector<16xi32>
      %add3A_322 = arith.addi %add3A_321, %iota3A : vector<16xi32>
      %lt3A_323 = vector.broadcast %max3A_162 : i32 to vector<16xi32>
      %lt3A_324 = arith.cmpi slt, %add3A_322, %lt3A_323 : vector<16xi32>
      %broadcast_in_dim3A_325 = arith.constant 0.000000e+00 : f32
      %broadcast_in_dim3A_326 = vector.broadcast %broadcast_in_dim3A_325 : f32 to vector<16xf32>
      %select_n3A_327 = arith.select %lt3A_324, %gather3A_318, %broadcast_in_dim3A_326 : vector<16xi1>, vector<16xf32>
      %add3A_328 = arith.addf %add3A_311, %select_n3A_327 : vector<16xf32>
      %add3A_329 = arith.constant 112 : i32
      %add3A_330 = arith.addi %mul3A_211, %add3A_329 : i32
      %get3A_331 = arith.constant 3 : i32
      %get3A_332 = arith.index_cast %get3A_331 : i32 to index
      %get3A_333 = arith.index_cast %add3A_330 : i32 to index
      %get3A_334 = tpu.vector_load %arg7[%get3A_332, %get3A_333] {strides = array<i32>} : memref<4x2048xi32, #tpu.memory_space<vmem>>, vector<16xi32>,
      %gather3A_335 = tpu.vector_load_idx %arg6[%get3A_334] : memref<32000xf32, #tpu.memory_space<vmem>>[vector<16xi32>], vector<16xf32>,
      %add3A_336 = arith.constant 112 : i32
      %add3A_337 = arith.addi %mul3A_211, %add3A_336 : i32
      %add3A_338 = vector.broadcast %add3A_337 : i32 to vector<16xi32>
      %add3A_339 = arith.addi %add3A_338, %iota3A : vector<16xi32>
      %lt3A_340 = vector.broadcast %max3A_162 : i32 to vector<16xi32>
      %lt3A_341 = arith.cmpi slt, %add3A_339, %lt3A_340 : vector<16xi32>
      %broadcast_in_dim3A_342 = arith.constant 0.000000e+00 : f32
      %broadcast_in_dim3A_343 = vector.broadcast %broadcast_in_dim3A_342 : f32 to vector<16xf32>
      %select_n3A_344 = arith.select %lt3A_341, %gather3A_335, %broadcast_in_dim3A_343 : vector<16xi1>, vector<16xf32>
      %add3A_345 = arith.addf %add3A_328, %select_n3A_344 : vector<16xf32>
      scf.yield %add3A_345 : vector<16xf32>
    }
    %swap3A_204 = arith.constant 3 : i32
    %swap3A_205 = arith.index_cast %swap3A_204 : i32 to index
    %swap3A_206 = arith.constant 0 : index
    %swap3A_207 = tpu.vector_load %arg9[%swap3A_205, %swap3A_206] {strides = array<i32>} : memref<4x16xf32, #tpu.memory_space<vmem>>, vector<16xf32>,
    tpu.vector_store %arg9[%swap3A_205, %swap3A_206], %while3A_203 {strides = array<i32>} : memref<4x16xf32, #tpu.memory_space<vmem>>, vector<16xf32>,
    "tpu.region"() ({
      %run_scoped3A = tpu.sem_alloc : memref<!tpu.dma_semaphore, #tpu.memory_space<semaphore_mem>>
      %dma_start3A_208 = arith.constant 0 : i32
      %dma_start3A_209 = tpu.memref_slice %arg5[%mul3A_2, %dma_start3A_208] : memref<128x16xf32, #tpu.memory_space<hbm>> -> memref<4x16xf32, #tpu.memory_space<hbm>>
      %dma_start3A_210 = arith.constant 0 : i32
      %dma_start3A_211 = tpu.memref_slice %arg5[%mul3A_2, %dma_start3A_210] : memref<128x16xf32, #tpu.memory_space<hbm>> -> memref<4x16xf32, #tpu.memory_space<hbm>>
      tpu.enqueue_dma source(%arg9 : memref<4x16xf32, #tpu.memory_space<vmem>>) target(%dma_start3A_211 : memref<4x16xf32, #tpu.memory_space<hbm>>) target_semaphore(%run_scoped3A : memref<!tpu.dma_semaphore, #tpu.memory_space<semaphore_mem>>)
      %dma_wait3A_212 = arith.constant 0 : i32
      %dma_wait3A_213 = tpu.memref_slice %arg5[%mul3A_2, %dma_wait3A_212] : memref<128x16xf32, #tpu.memory_space<hbm>> -> memref<4x16xf32, #tpu.memory_space<hbm>>
      %dma_wait3A_214 = arith.constant 0 : i32
      %dma_wait3A_215 = tpu.memref_slice %arg5[%mul3A_2, %dma_wait3A_214] : memref<128x16xf32, #tpu.memory_space<hbm>> -> memref<4x16xf32, #tpu.memory_space<hbm>>
      tpu.wait_dma2 semaphore(%run_scoped3A : memref<!tpu.dma_semaphore, #tpu.memory_space<semaphore_mem>>) src(%arg9 : memref<4x16xf32, #tpu.memory_space<vmem>>) dst(%dma_wait3A_215 : memref<4x16xf32, #tpu.memory_space<hbm>>)
      tpu.yield
    }) : () -> ()
    return
  }
}

module attributes {stable_mosaic.version = 14 : i64} {
  func.func @body(%arg0: memref<250x128xf32, #tpu.memory_space<vmem>>, %arg1: memref<128x16xf32, #tpu.memory_space<vmem>>, %arg2: memref<16x8xi32, #tpu.memory_space<vmem>>, %arg3: memref<33x8xf32, #tpu.memory_space<vmem>>) attributes {dimension_semantics = [], scalar_prefetch = 0 : i64, scratch_operands = 0 : i64, tpu.core_type = #tpu.core_type<tc>} {
    %get3A = arith.constant 0 : index
    %get3A_0 = arith.constant 0 : index
    %get3A_1 = vector.load %arg0[%get3A, %get3A_0] : memref<250x128xf32, #tpu.memory_space<vmem>>, vector<250x128xf32>
    %reduce_max3A = vector.shape_cast %get3A_1 : vector<250x128xf32> to vector<1x250x128xf32>
    %reduce_max3A_2 = arith.constant dense<0xFF800000> : vector<1xf32>
    %reduce_max3A_3 = vector.multi_reduction <maximumf>, %reduce_max3A, %reduce_max3A_2 [1, 2] : vector<1x250x128xf32> to vector<1xf32>
    %reduce_max3A_4 = vector.shape_cast %reduce_max3A_3 : vector<1xf32> to vector<1x1x1xf32>
    %reduce_max3A_5 = vector.extract %reduce_max3A_4[0, 0, 0] : f32 from vector<1x1x1xf32>
    %sub3A = vector.broadcast %reduce_max3A_5 : f32 to vector<250x128xf32>
    %sub3A_6 = arith.subf %get3A_1, %sub3A : vector<250x128xf32>
    %exp3A = math.exp %sub3A_6 : vector<250x128xf32>
    %reduce_sum3A = vector.shape_cast %exp3A : vector<250x128xf32> to vector<1x250x128xf32>
    %reduce_sum3A_7 = arith.constant dense<0.000000e+00> : vector<1xf32>
    %reduce_sum3A_8 = vector.multi_reduction <add>, %reduce_sum3A, %reduce_sum3A_7 [1, 2] : vector<1x250x128xf32> to vector<1xf32>
    %reduce_sum3A_9 = vector.shape_cast %reduce_sum3A_8 : vector<1xf32> to vector<1x1x1xf32>
    %reduce_sum3A_10 = vector.extract %reduce_sum3A_9[0, 0, 0] : f32 from vector<1x1x1xf32>
    %log3A = math.log %reduce_sum3A_10 : f32
    %add3A = arith.addf %reduce_max3A_5, %log3A : f32
    %get3A_11 = arith.constant 0 : index
    %get3A_12 = arith.constant 0 : index
    %get3A_13 = vector.load %arg2[%get3A_11, %get3A_12] : memref<16x8xi32, #tpu.memory_space<vmem>>, vector<16x8xi32>
    %max3A = arith.constant 1 : i32
    %max3A_14 = vector.broadcast %max3A : i32 to vector<16x8xi32>
    %max3A_15 = arith.maxsi %get3A_13, %max3A_14 : vector<16x8xi32>
    %convert_element_type3A = arith.sitofp %max3A_15 : vector<16x8xi32> to vector<16x8xf32>
    %get3A_16 = arith.constant 0 : index
    %get3A_17 = arith.constant 0 : index
    %get3A_18 = vector.load %arg1[%get3A_16, %get3A_17] : memref<128x16xf32, #tpu.memory_space<vmem>>, vector<128x16xf32>
    %reduce_sum3A_19 = arith.constant dense<0.000000e+00> : vector<128xf32>
    %reduce_sum3A_20 = vector.multi_reduction <add>, %get3A_18, %reduce_sum3A_19 [1] : vector<128x16xf32> to vector<128xf32>
    %reshape3A = vector.shape_cast %reduce_sum3A_20 : vector<128xf32> to vector<16x8xf32>
    %mul3A = vector.broadcast %add3A : f32 to vector<16x8xf32>
    %mul3A_21 = arith.mulf %convert_element_type3A, %mul3A : vector<16x8xf32>
    %sub3A_22 = arith.subf %reshape3A, %mul3A_21 : vector<16x8xf32>
    %reduce_max3A_23 = arith.constant dense<0xFF800000> : vector<16xf32>
    %reduce_max3A_24 = vector.multi_reduction <maximumf>, %sub3A_22, %reduce_max3A_23 [1] : vector<16x8xf32> to vector<16xf32>
    %broadcast_in_dim3A = vector.shape_cast %reduce_max3A_24 : vector<16xf32> to vector<16x1xf32>
    %sub3A_25 = vector.broadcast %broadcast_in_dim3A : vector<16x1xf32> to vector<16x8xf32>
    %sub3A_26 = arith.subf %sub3A_22, %sub3A_25 : vector<16x8xf32>
    %exp3A_27 = math.exp %sub3A_26 : vector<16x8xf32>
    %reduce_sum3A_28 = arith.constant dense<0.000000e+00> : vector<16xf32>
    %reduce_sum3A_29 = vector.multi_reduction <add>, %exp3A_27, %reduce_sum3A_28 [1] : vector<16x8xf32> to vector<16xf32>
    %broadcast_in_dim3A_30 = vector.shape_cast %reduce_sum3A_29 : vector<16xf32> to vector<16x1xf32>
    %div3A = vector.broadcast %broadcast_in_dim3A_30 : vector<16x1xf32> to vector<16x8xf32>
    %div3A_31 = arith.divf %exp3A_27, %div3A : vector<16x8xf32>
    %swap3A = arith.constant 0 : index
    %swap3A_32 = arith.constant 0 : index
    %swap3A_33 = vector.load %arg3[%swap3A, %swap3A_32] : memref<33x8xf32, #tpu.memory_space<vmem>>, vector<16x8xf32>
    tpu.vector_store %arg3[%swap3A, %swap3A_32], %div3A_31 {strides = array<i32>} : memref<33x8xf32, #tpu.memory_space<vmem>>, vector<16x8xf32>,
    %swap3A_34 = arith.constant 16 : index
    %swap3A_35 = arith.constant 0 : index
    %swap3A_36 = vector.load %arg3[%swap3A_34, %swap3A_35] : memref<33x8xf32, #tpu.memory_space<vmem>>, vector<16x8xf32>
    tpu.vector_store %arg3[%swap3A_34, %swap3A_35], %sub3A_22 {strides = array<i32>} : memref<33x8xf32, #tpu.memory_space<vmem>>, vector<16x8xf32>,
    %neg3A = arith.constant 0.000000e+00 : f32
    %neg3A_37 = vector.broadcast %neg3A : f32 to vector<16x8xf32>
    %neg3A_38 = arith.subf %neg3A_37, %sub3A_22 : vector<16x8xf32>
    %mul3A_39 = arith.mulf %neg3A_38, %div3A_31 : vector<16x8xf32>
    %div3A_40 = arith.divf %mul3A_39, %convert_element_type3A : vector<16x8xf32>
    %reduce_sum3A_41 = vector.shape_cast %div3A_40 : vector<16x8xf32> to vector<1x16x8xf32>
    %reduce_sum3A_42 = arith.constant dense<0.000000e+00> : vector<1xf32>
    %reduce_sum3A_43 = vector.multi_reduction <add>, %reduce_sum3A_41, %reduce_sum3A_42 [1, 2] : vector<1x16x8xf32> to vector<1xf32>
    %reduce_sum3A_44 = vector.shape_cast %reduce_sum3A_43 : vector<1xf32> to vector<1x1x1xf32>
    %reduce_sum3A_45 = vector.extract %reduce_sum3A_44[0, 0, 0] : f32 from vector<1x1x1xf32>
    %div3A_46 = arith.constant 1.280000e+02 : f32
    %div3A_47 = arith.divf %reduce_sum3A_45, %div3A_46 : f32
    %reshape3A_48 = vector.broadcast %div3A_47 : f32 to vector<1x1xf32>
    %broadcast_in_dim3A_49 = vector.shape_cast %reshape3A_48 : vector<1x1xf32> to vector<1x1xf32>
    %broadcast_in_dim3A_50 = vector.broadcast %broadcast_in_dim3A_49 : vector<1x1xf32> to vector<1x8xf32>
    %swap3A_51 = arith.constant 32 : index
    %swap3A_52 = arith.constant 0 : index
    %swap3A_53 = vector.load %arg3[%swap3A_51, %swap3A_52] : memref<33x8xf32, #tpu.memory_space<vmem>>, vector<1x8xf32>
    tpu.vector_store %arg3[%swap3A_51, %swap3A_52], %broadcast_in_dim3A_50 {strides = array<i32>} : memref<33x8xf32, #tpu.memory_space<vmem>>, vector<1x8xf32>,
    return
  }
}

</mosaic_0001>

<sc_bundles>
// kernel: _impl.4.cloned.1.call-start
scs
__scs_entry_jumppad:
0x0: {  	(pc) =	sbr.rel $0x88, $3  }
0x1: {  	(tag) =	ssettag $0x0;
	lr =	simm.s32 $0x1  }
0x2: {  	[smem:$0x3F9E] =	sst lr;
	_ =	strace $0xD0000000  }
0x3: {  	_ = 	snop  }
0x4: {  	_ = 	snop  }
0x5: {  	_ = 	snop  }
0x6: {  	_ = 	snop  }
0x7: {  	_ = 	snop  }
__scs_overlays_trampoline_lowered:
0x8: {  	[smem:$0x3FAD] =	sst s0  }
0x9: {  	[smem:$0x3FAE] =	sst s1  }
0xa: {  	[smem:$0x3FAF] =	sst s2  }
0xb: {  	[smem:$0x3FB0] =	sst s3  }
0xc: {  	[smem:$0x3FB1] =	sst s4  }
0xd: {  	[smem:$0x3FB2] =	sst s5  }
0xe: {  	[smem:$0x3FB3] =	sst s6  }
0xf: {  	[smem:$0x3FB4] =	sst s7  }
0x10: {  	[smem:$0x3FB5] =	sst s8  }
0x11: {  	[smem:$0x3FB6] =	sst s9;
	s0 =	simm.s32 @!p0 $0x0  }
0x12: {  	s1 =	sld [smem:$0x3F9C];
	s0 =	simm.s32 @p0 $0x1  }
0x13: {  	[smem:$0x3FB7] =	sst s0;
	s0 =	simm.s32 @!p1 $0x0  }
0x14: {  	s2 =	sld [smem:$0x3F9B];
	s0 =	simm.s32 @p1 $0x1  }
0x15: {  	[smem:$0x3FB8] =	sst s0;
	s0 =	simm.s32 @!p2 $0x0  }
0x16: {  	s3 =	sld [smem:$0x3FDB];
	s0 =	simm.s32 @p2 $0x1  }
0x17: {  	s4 =	simm.s32 $0x1BF5;
	[smem:$0x3FBA] =	sst s0  }
0x18: {  	s0 =	sld [smem:$0x3F9D];
	_ =	swait.ge [sflag:s4], $0x0  }
0x19: {  	s7 =	sld [smem:$0x3F9E]  }
0x1a: {  	s8 =	sadd.s32 $0xFFFFE003, lr  }
0x1b: {  	s9 =	sadd.s32 $0xFFFFFEF7, lr;
	s5 =	simm.s32 $0xFFFFFFFF;
	p2 =	slt.u32 s8, $0xFFFFF086  }
0x1c: {  	p1 =	slt.u32 s9, $0xF7A;
	s5 =	simm.s32 @!p2 $0x0  }
0x1d: {  	s5 =	simm.s32 @p1 $0x1;
	p0 =	seq.s32 s7, s2  }
0x1e: {  	s7 =	smul.u32 @!p0 $0xF7A, s2;
	p2 =	seq.s32 @!p0 s5, $0x0  }
0x1f: {  	s9 =	smul.u32 $0xF7A, s1;
	s8 =	simm.s32 @!p0 $0x1BF5;
	p2 =	por !p2, p0  }
0x20: {  	[sflag:s8] =	ssyncset.s32 @!p0 $0xFFFFF086;
	s6 =	sadd.s32 @!p0 s3, s7;
	s7 =	simm.s32 @!p0 $0x108  }
0x21: {  	s3 =	sadd.s32 s3, s9;
	s6 =	sadd.s32 @!p0 $0x88, s6;
	s7 =	simm.s32 @p2 $0x1082  }
0x22: {  	[simem:s7], [sflag:s8] =	dma.local @!p0 [hbm:s6], $0xF7A  }
0x23: {  	s9 =	sor.u32 $0xD0000000, s2;
	s6 =	simm.s32 $0x108;
	_ =	swait.ge @!p0 [sflag:s8], $0x0  }
0x24: {  	s3 =	sadd.s32 $0x88, s3;
	s6 =	simm.s32 @!p1 $0x1082;
	[sflag:s4] =	ssyncset.s32 $0xFFFFF086  }
0x25: {  	[simem:s6], [sflag:s4] =	dma.local [hbm:s3], $0xF7A  }
0x26: {  	[smem:$0x3F9E] =	sst s1;
	(tag) =	ssettag s2;
	_ =	strace s9  }
0x27: {  	s1 =	sld [smem:$0x3FAE]  }
0x28: {  	s2 =	sld [smem:$0x3FAF]  }
0x29: {  	s4 =	sld [smem:$0x3FB1]  }
0x2a: {  	p0 =	seq.s32 s5, $0x0;
	s5 =	sld [smem:$0x3FB2]  }
0x2b: {  	s6 =	sld [smem:$0x3FB3]  }
0x2c: {  	s7 =	sld [smem:$0x3FB4]  }
0x2d: {  	s3 =	simm.s32 $0x108;
	s8 =	sld [smem:$0x3FB5]  }
0x2e: {  	s3 =	simm.s32 @!p0 $0x1082;
	s9 =	sld [smem:$0x3FB6]  }
0x2f: {  	lr =	sadd.s32 s0, s3;
	s0 =	sld [smem:$0x3FAD]  }
0x30: {  	s3 =	sld [smem:$0x3FB0]  }
0x31: {  	[smem:$0x3FB9] =	sst s10  }
0x32: {  	s10 =	sld [smem:$0x3FB7];
	_ =	sdelay $0x3  }
0x33: {  	p0 =	seq.s32 s10, $0x1;
	s10 =	sld [smem:$0x3FB9];
	_ =	sdelay $0x3  }
0x34: {  	[smem:$0x3FB9] =	sst s10  }
0x35: {  	s10 =	sld [smem:$0x3FB8];
	_ =	sdelay $0x3  }
0x36: {  	p1 =	seq.s32 s10, $0x1;
	s10 =	sld [smem:$0x3FB9];
	_ =	sdelay $0x3  }
0x37: {  	[smem:$0x3FB9] =	sst s10  }
0x38: {  	s10 =	sld [smem:$0x3FBA]  }
0x39: {  	_ = 	snop;
	(pc) =	sbr.ind lr, $3  }
0x3a: {  	_ = 	snop  }
0x3b: {  	_ = 	snop  }
0x3c: {  	p2 =	seq.s32 s10, $0x1;
	s10 =	sld [smem:$0x3FB9]  }
0x3d: {  	_ =	shalt  }
0x3e: {  	_ =	shalt  }
0x3f: {  	_ =	shalt  }
0x40: {  	_ =	shalt  }
0x41: {  	_ =	shalt  }
0x42: {  	_ =	shalt  }
0x43: {  	_ =	shalt  }
0x44: {  	_ =	shalt  }
0x45: {  	_ =	shalt  }
0x46: {  	_ =	shalt  }
0x47: {  	_ =	shalt  }
0x48: {  	_ =	shalt  }
0x49: {  	_ =	shalt  }
0x4a: {  	_ =	shalt  }
0x4b: {  	_ =	shalt  }
0x4c: {  	_ =	shalt  }
0x4d: {  	_ =	shalt  }
0x4e: {  	_ =	shalt  }
0x4f: {  	_ =	shalt  }
0x50: {  	_ =	shalt  }
0x51: {  	_ =	shalt  }
0x52: {  	_ =	shalt  }
0x53: {  	_ =	shalt  }
0x54: {  	_ =	shalt  }
0x55: {  	_ =	shalt  }
0x56: {  	_ =	shalt  }
0x57: {  	_ =	shalt  }
0x58: {  	_ =	shalt  }
0x59: {  	_ =	shalt  }
0x5a: {  	_ =	shalt  }
0x5b: {  	_ =	shalt  }
0x5c: {  	_ =	shalt  }
0x5d: {  	_ =	shalt  }
0x5e: {  	_ =	shalt  }
0x5f: {  	_ =	shalt  }
0x60: {  	_ =	shalt  }
0x61: {  	_ =	shalt  }
0x62: {  	_ =	shalt  }
0x63: {  	_ =	shalt  }
0x64: {  	_ =	shalt  }
0x65: {  	_ =	shalt  }
0x66: {  	_ =	shalt  }
0x67: {  	_ =	shalt  }
0x68: {  	_ =	shalt  }
0x69: {  	_ =	shalt  }
0x6a: {  	_ =	shalt  }
0x6b: {  	_ =	shalt  }
0x6c: {  	_ =	shalt  }
0x6d: {  	_ =	shalt  }
0x6e: {  	_ =	shalt  }
0x6f: {  	_ =	shalt  }
0x70: {  	_ =	shalt  }
0x71: {  	_ =	shalt  }
0x72: {  	_ =	shalt  }
0x73: {  	_ =	shalt  }
0x74: {  	_ =	shalt  }
0x75: {  	_ =	shalt  }
0x76: {  	_ =	shalt  }
0x77: {  	_ =	shalt  }
0x78: {  	_ =	shalt  }
0x79: {  	_ =	shalt  }
0x7a: {  	_ =	shalt  }
0x7b: {  	_ =	shalt  }
0x7c: {  	_ =	shalt  }
0x7d: {  	_ =	shalt  }
0x7e: {  	_ =	shalt  }
0x7f: {  	_ =	shalt  }
0x80: {  	_ =	shalt  }
0x81: {  	_ =	shalt  }
0x82: {  	_ =	shalt  }
0x83: {  	_ =	shalt  }
0x84: {  	_ =	shalt  }
0x85: {  	_ =	shalt  }
0x86: {  	_ =	shalt  }
0x87: {  	_ =	shalt  }
.Lfunc_end0:
.L_simem_size_0:
called_computation_lowered:
.L_overlay_start_0:
0x88: {  	s2 =	sld [smem:$0x3FD9]  }
0x89: {  	s3 =	sld [smem:$0x3FFE];
	_ =	sdelay $0x1  }
0x8a: {  	s1 =	srdreg.scid  }
0x8b: {  	s0 =	sand.u32 $0x1, s1  }
0x8c: {  	s17 =	sshll.u32 s0, $0xA;
	s2 =	sadd.s32 s3, s2  }
0x8d: {  	s2 =	sadd.s32 s2, s17  }
0x8e: {  	[smem:$0x3FC5] =	sst s2  }
0x8f: {  	_ = 	snop  }
0x90: {  	s2 =	sld [smem:$0x3FC9]  }
0x91: {  	s18 =	sld [smem:$0x3FC8]  }
0x92: {  	s4 =	sld [smem:$0x3FC7];
	(tm) =	ssettm $0x1  }
0x93: {  	s5 =	sld [smem:$0x3FFB];
	_ =	sdelay $0x3  }
0x94: {  	_ =	strace s5  }
0x95: {  	s5 =	sld [smem:$0x3FFC];
	_ =	sdelay $0x3  }
0x96: {  	_ =	strace s5  }
0x97: {  	s5 =	sld [smem:$0x3FFD];
	_ =	sdelay $0x3  }
0x98: {  	_ =	strace s5  }
0x99: {  	_ =	strace $0x8FFFFFFF  }
0x9a: {  	s19 =	sld [smem:$0x3FDB];
	_ =	sdelay $0x1  }
0x9b: {  	s6 =	simm.s32 $_scs_section_size  }
0x9c: {  	s7 =	simm.s32 $_size__tile_overlayer_lowered;
	s8 =	simm.s32 $_tile_overlayer_lowered  }
0x9d: {  	s22 =	simm.s32 $0x1BFF;
	s21 =	sshll.u32 s8, $0x1;
	s5 =	sadd.s32 s6, s19  }
0x9e: {  	s9 =	simm.s32 $0x0;
	s20 =	sshll.u32 s7, $0x1;
	s7 =	sadd.s32 s21, s5  }
0x9f: {  	[timem:s9], [sflag:s22] =	dma.local [hbm:s7], s20  }
0xa0: {  	_ =	swait.ge [sflag:s22], s20  }
0xa1: {  	s6 =	ssub.s32 $0x0, s20;
	[sflag:s22] =	ssyncset.done $0x0  }
0xa2: {  	[sflag:s22] =	ssyncadd.s32 s6;
	_ =	sdelay $0x1  }
0xa3: {  	s23 =	simm.s32 $0x1B8B  }
0xa4: {  	_ =	swait.ge [sflag:s23], $0x1  }
0xa5: {  	[sflag:s23] =	ssyncset.done $0x0  }
0xa6: {  	s25 =	simm.s32 $0x1B8E;
	s24 =	sld [smem:$0x3FFE];
	[sflag:s23] =	ssyncadd.s32 $0xFFFFFFFF  }
0xa7: {  	s26 =	simm.s32 $execute0_lowered;
	[smem:$0x3FD2] =	sst s25  }
0xa8: {  	s7 =	sshll.u32 s26, $0x1;
	_ =	strace $0x80000046;
	[dreg:$0x1] =	wrdreg $0xFFFFFFFF  }
0xa9: {  	s28 =	simm.s32 $_size_execute0_lowered;
	s5 =	sadd.s32 s5, s7;
	[dreg:$0x0] =	wrdreg $0x0  }
0xaa: {  	s7 =	sshll.u32 s28, $0x1;
	[dreg:$0x2] =	wrdreg s5  }
0xab: {  	[dreg:$0x3] =	wrdreg s7  }
0xac: {  	[dreg:$0x4] =	wrdreg $0xC0  }
0xad: {  	_ =	task [dreg:s9], $0x5FFFF  }
0xae: {  	[dreg:$0x1] =	wrdreg $0xFFFFFFFF  }
0xaf: {  	[dreg:$0x0] =	wrdreg $0x60  }
0xb0: {  	[dreg:$0x2] =	wrdreg s2  }
0xb1: {  	[dreg:$0x3] =	wrdreg s18  }
0xb2: {  	[dreg:$0x4] =	wrdreg s4  }
0xb3: {  	[dreg:$0x5] =	wrdreg s24  }
0xb4: {  	[dreg:$0x6] =	wrdreg $0x9F800  }
0xb5: {  	[dreg:$0x7] =	wrdreg $0x9  }
0xb6: {  	_ =	task.clear_ibuf [dreg:s9], $0x8FFFF;
	_ =	strace $0x90000046  }
0xb7: {  	s29 =	simm.s32 $0x9;
	_ =	strace $0x80000048  }
0xb8: {  	_ =	swait.ge [sflag:s29], $0x1  }
0xb9: {  	[sflag:s29] =	ssyncadd.s32 $0xFFFFFFFF  }
0xba: {  	_ =	strace $0x90000048  }
0xbb: {  	_ =	sfence  }
0xbc: {  	s30 =	sld [smem:$0x0];
	_ =	sdelay $0x2  }
0xbd: {  	s31 =	sshll.u32 s1, $0xD;
	s1 =	sshrl.u32 s1, $0x2  }
0xbe: {  	s3 =	sand.u32 $0x4000, s31;
	s1 =	sadd.s32 s1, s30  }
0xbf: {  	s0 =	sor.u32 s3, s0;
	s1 =	sshll.u32 s1, $0x11  }
0xc0: {  	s0 =	sor.u32 s1, s0  }
0xc1: {  	s0 =	sadd.s32 $0x8F2B, s0  }
0xc2: {  	[sflag:s0] =	ssyncadd.remote.s32 $0x1  }
0xc3: {  	_ =	sfence.sel $0xFFFF  }
0xc4: {  	[dreg:$0x0] =	wrdreg $0xFFFFFFFF;
	(pc) =	sbr.abs _section_cstart, $3  }
0xc5: {  	[dreg:$0x1] =	wrdreg $0xFFFFFFFF  }
0xc6: {  	_ =	task.clear_ibuf [dreg:s9], $0x2FFFF;
	_ =	strace $0x9FFFFFFF  }
0xc7: {  	(tm) =	ssettm $0x7FFFFFFF  }
tec
execute0_lowered:
.L_overlay_start_1:
0x0: {  	(tag) =	ssettag $0x1  }
0x1: {  	s1 =	rddreg [dreg:$0x0]  }
0x2: {  	s5 =	rddreg [dreg:$0x1]  }
0x3: {  	s2 =	rddreg [dreg:$0x2]  }
0x4: {  	s6 =	rddreg [dreg:$0x3]  }
0x5: {  	s3 =	rddreg [dreg:$0x4]  }
0x6: {  	s0 =	rddreg [dreg:$0x5];
	s7 =	srdreg.scid  }
0x7: {  	s4 =	simm.s32 $0x0;
	s8 =	stileid.u32;
	s13 =	simm.s32 $0x2  }
0x8: {  	s15 =	simm.s32 $0x9D80;
	s16 =	simm.s32 $0x0;
	s7 =	sand.u32 $0x1, s7  }
0x9: {  	[smem:$0x7FF] =	sst s4;
	s10 =	sshll.u32 s8, $0xA;
	s12 =	sshll.u32 s8, $0xE  }
0xa: {  	s29 =	sshll.u32 s8, $0x3;
	p0 =	sne.s32 s8, $0x0;
	s8 =	simm.s32 $0x200  }
0xb: {  	s9 =	sshll.u32 s7, $0x9;
	_ =	strace $0x80000047;
	s11 =	ssub.s32 $0x2, s7  }
0xc: {  	s7 =	sshll.u32 s7, $0x2;
	s10 =	sor.u32 s9, s10;
	s28 =	sshrl.u32 s11, $0x1  }
0xd: {  	s9 =	sor.u32 s9, s12;
	s7 =	sor.u32 s7, s29;
	s12 =	sshrl.u32 @!p0 s3, $0x3  }
.Ltmp0:
0xe: {  	s10 =	sshrl.u32 s10, $0x3;
	s9 =	sshrl.u32 s9, $0x3;
	(pc) =	sbr.rel .LBB2_1-.Ltmp0, $4  }
0xf: {  	s30 =	sor.u32 $0x1, s7;
	s31 =	sor.u32 $0x2, s7;
	s14 =	sor.u32 $0x3, s7;
	v0 =	vmov s7  }
0x10: {  	v4 =	vlaneseq.u32;
	s6 =	sadd.s32 s10, s6;
	s10 =	ssub.s32 s11, s28;
	s5 =	sadd.s32 s5, s9;
	v0 =	vbroadcast v0, $0x0  }
0x11: {  	v1 =	vmov s30;
	s9 =	simm.s32 $0x400;
	v2 =	vmov s31;
	s11 =	simm.s32 $0x9D00;
	v3 =	vmov s14;
	s14 =	simm.s32 $0x1  }
0x12: {  	v4 =	vmul.u32 $0xFFFFFFFF, v4;
	s6 =	sadd.s32 $0xC00, s6;
	s7 =	smax.u32 s10, $0x1;
	s10 =	simm.s32 $0x7D00;
	v1 =	vbroadcast v1, $0x0;
	v2 =	vbroadcast v2, $0x0  }
.LBB2_24:
0x13: {  	s19 =	simm.s32 $0x0  }
.LBB2_28:
0x14: {  	_ =	sdelay $0x1  }
0x15: {  	v14 =	vadd.f32 @p1 v15, v14;
	vm0 =	vlt.s32 @p1 v16, v5;
	s20 =	sadd.s32 @p1 $0x30, s19  }
0x16: {  	v11 =	vnsel @p1 vm0, $0x0, v11;
	v15 =	vmov @p1 s20  }
0x17: {  	v10 =	vld.idx.msk @p1 [tilespmem:v10+s4+$0x0], $0xffff;
	s20 =	sadd.s32 @p1 $0x40, s19;
	v11 =	vadd.f32 @p1 v11, v14;
	vm0 =	vlt.s32 @p1 v15, v5  }
0x18: {  	v42 =	vld [tilespmem:s18+$0xFFFFFFA0];
	v15 =	vmov @p1 s20;
	v12 =	vnsel @p1 vm0, $0x0, v12  }
0x19: {  	v8 =	vld.idx.msk @p1 [tilespmem:v8+s4+$0x0], $0xffff;
	s20 =	sadd.s32 @p1 $0x50, s19;
	vm0 =	vlt.s32 @p1 v15, v5;
	v11 =	vadd.f32 @p1 v12, v11  }
0x1a: {  	v43 =	vld [tilespmem:s18+$0xFFFFFFB0];
	v15 =	vmov @p1 s20;
	v13 =	vnsel @p1 vm0, $0x0, v13  }
0x1b: {  	v9 =	vld.idx.msk @p1 [tilespmem:v9+s4+$0x0], $0xffff;
	s20 =	sadd.s32 @p1 $0x60, s19;
	vm0 =	vlt.s32 @p1 v15, v5;
	v11 =	vadd.f32 @p1 v13, v11  }
0x1c: {  	v44 =	vld [tilespmem:s18+$0xFFFFFFC0];
	v15 =	vmov @p1 s20;
	v10 =	vnsel @p1 vm0, $0x0, v10  }
0x1d: {  	v45 =	vld [tilespmem:s18+$0xFFFFFFD0];
	s20 =	sadd.s32 @p1 $0x70, s19;
	vm0 =	vlt.s32 @p1 v15, v5;
	v10 =	vadd.f32 @p1 v10, v11  }
0x1e: {  	v7 =	vld.idx.msk [tilespmem:v7+s4+$0x0], $0xffff;
	v8 =	vnsel @p1 vm0, $0x0, v8;
	v11 =	vmov @p1 s20  }
0x1f: {  	v46 =	vld [tilespmem:s18+$0xFFFFFFE0];
	s19 =	sadd.s32 @p1 $0x80, s19;
	vm0 =	vlt.s32 @p1 v11, v5;
	v8 =	vadd.f32 @p1 v8, v10  }
0x20: {  	s17 =	smov.u32 @p1 s19;
	v47 =	vld.idx.msk [tilespmem:v42+s4+$0x0], $0xffff;
	v9 =	vnsel @p1 vm0, $0x0, v9  }
0x21: {  	v48 =	vld [tilespmem:s18+$0xFFFFFFF0];
	v49 =	vmov s17;
	v8 =	vadd.f32 @p1 v9, v8  }
0x22: {  	s19 =	sadd.s32 $0x10, s17;
	vm8 =	vlt.s32 v49, v5;
	v50 =	vld.idx.msk [tilespmem:v43+s4+$0x0], $0xffff  }
0x23: {  	v51 =	vld [tilespmem:s18+$0x0];
	v52 =	vmov s19;
	v7 =	vnsel vm8, $0x0, v7;
	v6 =	vpsel p1, v8, v6  }
0x24: {  	s26 =	sadd.s32 $0x20, s17;
	v53 =	vld.idx.msk [tilespmem:v44+s4+$0x0], $0xffff;
	vm9 =	vlt.s32 v52, v5;
	v6 =	vadd.f32 v7, v6  }
0x25: {  	v54 =	vmov s26;
	v7 =	vnsel vm9, $0x0, v47  }
0x26: {  	s28 =	sadd.s32 $0x30, s17;
	v55 =	vld.idx.msk [tilespmem:v45+s4+$0x0], $0xffff;
	vm10 =	vlt.s32 v54, v5;
	v6 =	vadd.f32 v7, v6  }
0x27: {  	v56 =	vmov s28;
	v7 =	vnsel vm10, $0x0, v50  }
0x28: {  	s29 =	sadd.s32 $0x40, s17;
	v57 =	vld.idx.msk [tilespmem:v46+s4+$0x0], $0xffff;
	vm11 =	vlt.s32 v56, v5;
	v6 =	vadd.f32 v7, v6  }
0x29: {  	v58 =	vmov s29;
	v7 =	vnsel vm11, $0x0, v53  }
0x2a: {  	s30 =	sadd.s32 $0x50, s17;
	v59 =	vld.idx.msk [tilespmem:v48+s4+$0x0], $0xffff;
	vm12 =	vlt.s32 v58, v5;
	v6 =	vadd.f32 v7, v6  }
0x2b: {  	v60 =	vmov s30;
	v7 =	vnsel vm12, $0x0, v55  }
0x2c: {  	s31 =	sadd.s32 $0x60, s17;
	v61 =	vld.idx.msk [tilespmem:v51+s4+$0x0], $0xffff;
	vm13 =	vlt.s32 v60, v5;
	v6 =	vadd.f32 v7, v6  }
0x2d: {  	v62 =	vmov s31;
	v7 =	vnsel vm13, $0x0, v57  }
0x2e: {  	s17 =	sadd.s32 $0x70, s17;
	vm14 =	vlt.s32 v62, v5;
	v6 =	vadd.f32 v7, v6  }
0x2f: {  	v63 =	vmov s17;
	v7 =	vnsel vm14, $0x0, v59  }
0x30: {  	vm15 =	vlt.s32 v63, v5;
	v6 =	vadd.f32 v7, v6  }
0x31: {  	v5 =	vnsel vm15, $0x0, v61  }
0x32: {  	v5 =	vadd.f32 v5, v6  }
.LBB2_29:
0x33: {  	s16 =	sadd.s32 $0x1, s16  }
0x34: {  	p1 =	sne.s32 s16, s7  }
.Ltmp1:
0x35: {  	[tilespmem:$0x9F00] =	vst v5;
	(pc) =	sbr.rel @!p1 .LBB2_30-.Ltmp1, $4  }
0x36: {  	[hbm4b:s6+s4] =	stream.linear.scatter [tilespmem:s15], [sflag:$0x2], $0x200, $0x38;
	[tilespmem:$0xA750] =	vst v63  }
0x37: {  	_ =	swait.ge [sflag:s13], $0x200  }
0x38: {  	[sflag:s13] =	ssyncset.done $0x0  }
0x39: {  	[sflag:s13] =	ssyncadd.s32 $0xFFFFFE00  }
.LBB2_1:
0x3a: {  	[tilespmem:s10], [sflag:$0x1] =	stream.strided.gather [hbm4b:s5+s8], $0x2000, s9, s8, $0x38;
	[tilespmem:$0xA750] =	vst v63  }
0x3b: {  	s17 =	simm.s32 @!p0 $0x1C02  }
0x3c: {  	[tilespmem:s11], [sflag:$0x1] =	stream.linear.gather [hbm4b:s2+s4], $0x80, $0x38;
	[tilespmem:$0xA750] =	vst v63  }
0x3d: {  	[spmem:s12], [sflag:s17] =	dma.local @!p0 [hbm:s1], $0xFA0  }
0x3e: {  	s17 =	simm.s32 @!p0 $0x2  }
0x3f: {  	_ =	swait.ge @!p0 [sflag:s17], $0xFA0  }
0x40: {  	[sflag:s17] =	ssyncset.done @!p0 $0x0  }
0x41: {  	[sflag:s17] =	ssyncadd.s32 @!p0 $0xFFFFF060  }
0x42: {  	[bflag:$0x0] =	sbarrier.arrive $0xFFFF  }
0x43: {  	[tilespmem:s4], [sflag:$0x2] =	stream.linear.gather [spmem:s3], $0x7D00, $0x38;
	[tilespmem:$0xA750] =	vst v63  }
0x44: {  	_ =	swait.ge [sflag:s13], $0x7D00  }
0x45: {  	[sflag:s13] =	ssyncset.done $0x0  }
0x46: {  	[sflag:s13] =	ssyncadd.s32 $0xFFFF8300  }
0x47: {  	_ =	swait.ge [sflag:s14], $0x2000  }
0x48: {  	[sflag:s14] =	ssyncset.done $0x0  }
0x49: {  	[sflag:s14] =	ssyncadd.s32 $0xFFFFE000  }
0x4a: {  	_ =	swait.ge [sflag:s14], $0x80  }
0x4b: {  	[sflag:s14] =	ssyncset.done $0x0  }
0x4c: {  	[sflag:s14] =	ssyncadd.s32 $0xFFFFFF80  }
0x4d: {  	v5 =	vld.idx.msk [tilespmem:v0+s11+$0x0], $0xffff;
	_ =	sdelay $0x4  }
0x4e: {  	(v2sf) =	vpush v5, $0x0;
	_ =	sdelay $0xe  }
0x4f: {  	s17 =	spop (v2sf)  }
0x50: {  	p1 =	sgt.s32 s17, $0x1  }
0x51: {  	s17 =	simm.s32 @!p1 $0x1  }
0x52: {  	s18 =	sadd.s32 $0x7F, s17  }
0x53: {  	s19 =	sand.u32 $0x7F, s18  }
0x54: {  	s31 =	sshra.s32 s18, $0x1F;
	p2 =	slt.s32 s18, $0x0;
	p6 =	sne.s32 s19, $0x0  }
0x55: {  	s19 =	sshrl.u32 s31, $0x19;
	p1 =	por !p2, !p6  }
0x56: {  	s18 =	sadd.s32 s19, s18;
	s19 =	simm.s32 $0x1;
	p1 =	por !p1, !p1  }
0x57: {  	s18 =	sshra.s32 s18, $0x7;
	s19 =	simm.s32 @!p1 $0x0  }
0x58: {  	s19 =	ssub.s32 s18, s19  }
0x59: {  	p1 =	slt.s32 s19, $0x1  }
.Ltmp2:
0x5a: {  	_ = 	snop;
	(pc) =	sbr.rel @p1 .LBB2_8-.Ltmp2, $2  }
0x5b: {  	_ =	sdelay $0x2  }
0x5c: {  	v6 =	vimm.f32 $0.0e+00;
	v5 =	vimm.f32 $0.0e+00  }
0x5d: {  	p2 =	sne.s32 s19, $0x1  }
.Ltmp3:
0x5e: {  	_ = 	snop;
	(pc) =	sbr.rel @!p2 .LBB2_3-.Ltmp3, $3  }
0x5f: {  	_ =	sdelay $0x1  }
0x60: {  	s18 =	simm.s32 $0x7D40  }
0x61: {  	v6 =	vadd.s32 s17, v4;
	v7 =	vimm.f32 $0.0e+00;
	s17 =	simm.s32 $0x0;
	s19 =	sadd.s32 $0xFFFFFFFF, s19;
	p1 =	por $0x0, $0x0;
	v8 =	vld [tilespmem:s18+$0xFFFFFFC0]  }
0x62: {  	_ = 	snop  }
0x63: {  	v9 =	vld [tilespmem:s18+$0xFFFFFFD0];
	_ =	sdelay $0x1  }
0x64: {  	v10 =	vld [tilespmem:s18+$0xFFFFFFE0];
	_ =	sdelay $0x1  }
0x65: {  	v13 =	vld [tilespmem:s18+$0xFFFFFFF0]  }
0x66: {  	v14 =	vld [tilespmem:s18+$0x0]  }
0x67: {  	v11 =	vld [tilespmem:s18+$0x10]  }
0x68: {  	v8 =	vld.idx.msk [tilespmem:v8+s4+$0x0], $0xffff  }
0x69: {  	v16 =	vld.idx.msk [tilespmem:v9+s4+$0x0], $0xffff  }
0x6a: {  	p2 =	sne.s32 s19, $0x1;
	v9 =	vld [tilespmem:s18+$0x20]  }
.Ltmp4:
0x6b: {  	v15 =	vmov s17;
	v12 =	vld.idx.msk [tilespmem:v10+s4+$0x0], $0xffff;
	(pc) =	sbr.rel @!p2 .LBB2_5-.Ltmp4, $4  }
0x6c: {  	s20 =	simm.s32 $0x10;
	vm0 =	vlt.s32 v15, v6;
	v10 =	vld [tilespmem:s18+$0x30]  }
0x6d: {  	v15 =	vmov s20;
	v13 =	vld.idx.msk [tilespmem:v13+s4+$0x0], $0xffff;
	v17 =	vnsel vm0, $0x0, v8  }
0x6e: {  	s21 =	simm.s32 $0x20;
	vm15 =	vlt.s32 v15, v6;
	s18 =	simm.s32 $0x7F40;
	v14 =	vld.idx.msk [tilespmem:v14+s4+$0x0], $0xffff;
	v15 =	vadd.f32 v17, v7  }
0x6f: {  	p1 =	por $0x1, $0x1;
	s20 =	sadd.s32 $0xFFFFFFFF, s19;
	s19 =	simm.s32 $0x0;
	v8 =	vld [tilespmem:s18+$0xFFFFFFC0];
	v17 =	vmov s21;
	v16 =	vnsel vm15, $0x0, v16  }
.LBB2_6:
0x70: {  	p2 =	sne.s32 s20, $0x1;
	v18 =	vld [tilespmem:s18+$0xFFFFFFD0];
	v15 =	vadd.f32 v16, v15;
	vm0 =	vlt.s32 v17, v6;
	s21 =	sadd.s32 $0x30, s19  }
0x71: {  	v12 =	vnsel vm0, $0x0, v12;
	v16 =	vmov s21;
	v11 =	vld.idx.msk [tilespmem:v11+s4+$0x0], $0xffff  }
0x72: {  	s21 =	sadd.s32 $0x40, s19;
	v17 =	vld [tilespmem:s18+$0xFFFFFFE0];
	v12 =	vadd.f32 v12, v15;
	vm0 =	vlt.s32 v16, v6  }
0x73: {  	v15 =	vmov s21;
	v13 =	vnsel vm0, $0x0, v13;
	v9 =	vld.idx.msk [tilespmem:v9+s4+$0x0], $0xffff  }
0x74: {  	s21 =	sadd.s32 $0x50, s19;
	vm0 =	vlt.s32 v15, v6;
	v16 =	vld [tilespmem:s18+$0xFFFFFFF0];
	v12 =	vadd.f32 v13, v12  }
0x75: {  	v13 =	vnsel vm0, $0x0, v14;
	v14 =	vmov s21;
	v10 =	vld.idx.msk [tilespmem:v10+s4+$0x0], $0xffff  }
0x76: {  	s21 =	sadd.s32 $0x60, s19;
	vm0 =	vlt.s32 v14, v6;
	v19 =	vld [tilespmem:s18+$0x0];
	v12 =	vadd.f32 v13, v12  }
0x77: {  	v14 =	vmov s21;
	v13 =	vnsel vm0, $0x0, v11;
	v8 =	vld.idx.msk [tilespmem:v8+s4+$0x0], $0xffff  }
0x78: {  	s21 =	sadd.s32 $0x70, s19;
	vm0 =	vlt.s32 v14, v6;
	v11 =	vld [tilespmem:s18+$0x10];
	v12 =	vadd.f32 v13, v12  }
0x79: {  	v15 =	vmov s21;
	v13 =	vnsel vm0, $0x0, v9;
	v14 =	vld.idx.msk [tilespmem:v18+s4+$0x0], $0xffff  }
0x7a: {  	s19 =	sadd.s32 $0x80, s19;
	vm0 =	vlt.s32 v15, v6;
	v9 =	vld [tilespmem:s18+$0x20];
	v13 =	vadd.f32 v13, v12  }
.Ltmp5:
0x7b: {  	v15 =	vmov s19;
	v12 =	vld.idx.msk [tilespmem:v17+s4+$0x0], $0xffff;
	v17 =	vnsel vm0, $0x0, v10;
	(pc) =	sbr.rel @p2 .LBB2_6-.Ltmp5, $4  }
0x7c: {  	s21 =	sadd.s32 $0x10, s19;
	vm0 =	vlt.s32 v15, v6;
	v10 =	vld [tilespmem:s18+$0x30];
	v15 =	vadd.f32 v17, v13  }
0x7d: {  	v18 =	vmov s21;
	v17 =	vnsel vm0, $0x0, v8;
	s18 =	sadd.s32 $0x200, s18;
	v13 =	vld.idx.msk [tilespmem:v16+s4+$0x0], $0xffff  }
0x7e: {  	s21 =	sadd.s32 $0x20, s19;
	vm0 =	vlt.s32 v18, v6;
	v8 =	vld [tilespmem:s18+$0xFFFFFFC0];
	v15 =	vadd.f32 v17, v15  }
0x7f: {  	s20 =	sadd.s32 $0xFFFFFFFF, s20;
	v16 =	vnsel vm0, $0x0, v14;
	v17 =	vmov s21;
	v14 =	vld.idx.msk [tilespmem:v19+s4+$0x0], $0xffff  }
.LBB2_7:
0x80: {  	_ =	sdelay $0x1  }
0x81: {  	v15 =	vadd.f32 @p1 v16, v15;
	vm0 =	vlt.s32 @p1 v17, v6;
	s20 =	sadd.s32 @p1 $0x30, s19  }
0x82: {  	v12 =	vnsel @p1 vm0, $0x0, v12;
	v16 =	vmov @p1 s20  }
0x83: {  	v11 =	vld.idx.msk @p1 [tilespmem:v11+s4+$0x0], $0xffff;
	s20 =	sadd.s32 @p1 $0x40, s19;
	v12 =	vadd.f32 @p1 v12, v15;
	vm0 =	vlt.s32 @p1 v16, v6  }
0x84: {  	v42 =	vld [tilespmem:s18+$0xFFFFFFD0];
	v16 =	vmov @p1 s20;
	v13 =	vnsel @p1 vm0, $0x0, v13  }
0x85: {  	v9 =	vld.idx.msk @p1 [tilespmem:v9+s4+$0x0], $0xffff;
	s20 =	sadd.s32 @p1 $0x50, s19;
	vm0 =	vlt.s32 @p1 v16, v6;
	v12 =	vadd.f32 @p1 v13, v12  }
0x86: {  	v43 =	vld [tilespmem:s18+$0xFFFFFFE0];
	v16 =	vmov @p1 s20;
	v14 =	vnsel @p1 vm0, $0x0, v14  }
0x87: {  	v10 =	vld.idx.msk @p1 [tilespmem:v10+s4+$0x0], $0xffff;
	s20 =	sadd.s32 @p1 $0x60, s19;
	vm0 =	vlt.s32 @p1 v16, v6;
	v12 =	vadd.f32 @p1 v14, v12  }
0x88: {  	v44 =	vld [tilespmem:s18+$0xFFFFFFF0];
	v16 =	vmov @p1 s20;
	v11 =	vnsel @p1 vm0, $0x0, v11  }
0x89: {  	v45 =	vld [tilespmem:s18+$0x0];
	s20 =	sadd.s32 @p1 $0x70, s19;
	vm0 =	vlt.s32 @p1 v16, v6;
	v11 =	vadd.f32 @p1 v11, v12  }
0x8a: {  	v8 =	vld.idx.msk [tilespmem:v8+s4+$0x0], $0xffff;
	v9 =	vnsel @p1 vm0, $0x0, v9;
	v12 =	vmov @p1 s20  }
0x8b: {  	v46 =	vld [tilespmem:s18+$0x10];
	s19 =	sadd.s32 @p1 $0x80, s19;
	vm0 =	vlt.s32 @p1 v12, v6;
	v9 =	vadd.f32 @p1 v9, v11  }
0x8c: {  	s17 =	smov.u32 @p1 s19;
	v47 =	vld.idx.msk [tilespmem:v42+s4+$0x0], $0xffff;
	v10 =	vnsel @p1 vm0, $0x0, v10  }
0x8d: {  	v48 =	vld [tilespmem:s18+$0x20];
	v49 =	vmov s17;
	v9 =	vadd.f32 @p1 v10, v9  }
0x8e: {  	s19 =	sadd.s32 $0x10, s17;
	vm8 =	vlt.s32 v49, v6;
	v50 =	vld.idx.msk [tilespmem:v43+s4+$0x0], $0xffff  }
0x8f: {  	v51 =	vld [tilespmem:s18+$0x30];
	v52 =	vmov s19;
	v8 =	vnsel vm8, $0x0, v8;
	v7 =	vpsel p1, v9, v7  }
0x90: {  	s26 =	sadd.s32 $0x20, s17;
	v53 =	vld.idx.msk [tilespmem:v44+s4+$0x0], $0xffff;
	vm9 =	vlt.s32 v52, v6;
	v7 =	vadd.f32 v8, v7  }
0x91: {  	v54 =	vmov s26;
	v8 =	vnsel vm9, $0x0, v47  }
0x92: {  	s28 =	sadd.s32 $0x30, s17;
	v55 =	vld.idx.msk [tilespmem:v45+s4+$0x0], $0xffff;
	vm10 =	vlt.s32 v54, v6;
	v7 =	vadd.f32 v8, v7  }
0x93: {  	v56 =	vmov s28;
	v8 =	vnsel vm10, $0x0, v50  }
0x94: {  	s29 =	sadd.s32 $0x40, s17;
	v57 =	vld.idx.msk [tilespmem:v46+s4+$0x0], $0xffff;
	vm11 =	vlt.s32 v56, v6;
	v7 =	vadd.f32 v8, v7  }
0x95: {  	v58 =	vmov s29;
	v8 =	vnsel vm11, $0x0, v53  }
0x96: {  	s30 =	sadd.s32 $0x50, s17;
	v59 =	vld.idx.msk [tilespmem:v48+s4+$0x0], $0xffff;
	vm12 =	vlt.s32 v58, v6;
	v7 =	vadd.f32 v8, v7  }
0x97: {  	v60 =	vmov s30;
	v8 =	vnsel vm12, $0x0, v55  }
0x98: {  	s31 =	sadd.s32 $0x60, s17;
	v61 =	vld.idx.msk [tilespmem:v51+s4+$0x0], $0xffff;
	vm13 =	vlt.s32 v60, v6;
	v7 =	vadd.f32 v8, v7  }
0x99: {  	v62 =	vmov s31;
	v8 =	vnsel vm13, $0x0, v57  }
0x9a: {  	s17 =	sadd.s32 $0x70, s17;
	vm14 =	vlt.s32 v62, v6;
	v7 =	vadd.f32 v8, v7  }
0x9b: {  	v63 =	vmov s17;
	v8 =	vnsel vm14, $0x0, v59  }
0x9c: {  	vm15 =	vlt.s32 v63, v6;
	v7 =	vadd.f32 v8, v7  }
0x9d: {  	v6 =	vnsel vm15, $0x0, v61  }
0x9e: {  	v6 =	vadd.f32 v6, v7  }
.LBB2_8:
0x9f: {  	_ =	sdelay $0x2  }
0xa0: {  	[tilespmem:$0x9D80] =	vst v6  }
0xa1: {  	v6 =	vld.idx.msk [tilespmem:v1+s11+$0x0], $0xffff;
	_ =	sdelay $0x4  }
0xa2: {  	(v2sf) =	vpush v6, $0x0;
	_ =	sdelay $0xe  }
0xa3: {  	s17 =	spop (v2sf)  }
0xa4: {  	p1 =	sgt.s32 s17, $0x1  }
0xa5: {  	s17 =	simm.s32 @!p1 $0x1  }
0xa6: {  	s18 =	sadd.s32 $0x7F, s17  }
0xa7: {  	s19 =	sand.u32 $0x7F, s18  }
0xa8: {  	s31 =	sshra.s32 s18, $0x1F;
	p2 =	slt.s32 s18, $0x0;
	p6 =	sne.s32 s19, $0x0  }
0xa9: {  	s19 =	sshrl.u32 s31, $0x19;
	p1 =	por !p2, !p6  }
0xaa: {  	s18 =	sadd.s32 s19, s18;
	s19 =	simm.s32 $0x1;
	p1 =	por !p1, !p1  }
0xab: {  	s18 =	sshra.s32 s18, $0x7;
	s19 =	simm.s32 @!p1 $0x0  }
0xac: {  	s19 =	ssub.s32 s18, s19  }
0xad: {  	p1 =	slt.s32 s19, $0x1  }
.Ltmp6:
0xae: {  	_ = 	snop;
	(pc) =	sbr.rel @p1 .LBB2_15-.Ltmp6, $1  }
0xaf: {  	_ =	sdelay $0x3  }
0xb0: {  	p2 =	sne.s32 s19, $0x1  }
.Ltmp7:
0xb1: {  	_ = 	snop;
	(pc) =	sbr.rel @!p2 .LBB2_10-.Ltmp7, $3  }
0xb2: {  	_ =	sdelay $0x1  }
0xb3: {  	s18 =	simm.s32 $0x7DF0  }
0xb4: {  	v5 =	vadd.s32 s17, v4;
	v6 =	vimm.f32 $0.0e+00;
	s17 =	simm.s32 $0x0;
	s19 =	sadd.s32 $0xFFFFFFFF, s19;
	p1 =	por $0x0, $0x0;
	v7 =	vld [tilespmem:s18+$0xFFFFFF90]  }
0xb5: {  	_ = 	snop  }
0xb6: {  	v8 =	vld [tilespmem:s18+$0xFFFFFFA0];
	_ =	sdelay $0x1  }
0xb7: {  	v9 =	vld [tilespmem:s18+$0xFFFFFFB0];
	_ =	sdelay $0x1  }
0xb8: {  	v12 =	vld [tilespmem:s18+$0xFFFFFFC0]  }
0xb9: {  	v13 =	vld [tilespmem:s18+$0xFFFFFFD0]  }
0xba: {  	v10 =	vld [tilespmem:s18+$0xFFFFFFE0]  }
0xbb: {  	v7 =	vld.idx.msk [tilespmem:v7+s4+$0x0], $0xffff  }
0xbc: {  	v15 =	vld.idx.msk [tilespmem:v8+s4+$0x0], $0xffff  }
0xbd: {  	p2 =	sne.s32 s19, $0x1;
	v8 =	vld [tilespmem:s18+$0xFFFFFFF0]  }
.Ltmp8:
0xbe: {  	v14 =	vmov s17;
	v11 =	vld.idx.msk [tilespmem:v9+s4+$0x0], $0xffff;
	(pc) =	sbr.rel @!p2 .LBB2_12-.Ltmp8, $4  }
0xbf: {  	s20 =	simm.s32 $0x10;
	vm0 =	vlt.s32 v14, v5;
	v9 =	vld [tilespmem:s18+$0x0]  }
0xc0: {  	v14 =	vmov s20;
	v12 =	vld.idx.msk [tilespmem:v12+s4+$0x0], $0xffff;
	v16 =	vnsel vm0, $0x0, v7  }
0xc1: {  	s21 =	simm.s32 $0x20;
	vm15 =	vlt.s32 v14, v5;
	s18 =	simm.s32 $0x7FF0;
	v13 =	vld.idx.msk [tilespmem:v13+s4+$0x0], $0xffff;
	v14 =	vadd.f32 v16, v6  }
0xc2: {  	p1 =	por $0x1, $0x1;
	s20 =	sadd.s32 $0xFFFFFFFF, s19;
	s19 =	simm.s32 $0x0;
	v7 =	vld [tilespmem:s18+$0xFFFFFF90];
	v16 =	vmov s21;
	v15 =	vnsel vm15, $0x0, v15  }
.LBB2_13:
0xc3: {  	p2 =	sne.s32 s20, $0x1;
	v17 =	vld [tilespmem:s18+$0xFFFFFFA0];
	v14 =	vadd.f32 v15, v14;
	vm0 =	vlt.s32 v16, v5;
	s21 =	sadd.s32 $0x30, s19  }
0xc4: {  	v11 =	vnsel vm0, $0x0, v11;
	v15 =	vmov s21;
	v10 =	vld.idx.msk [tilespmem:v10+s4+$0x0], $0xffff  }
0xc5: {  	s21 =	sadd.s32 $0x40, s19;
	v16 =	vld [tilespmem:s18+$0xFFFFFFB0];
	v11 =	vadd.f32 v11, v14;
	vm0 =	vlt.s32 v15, v5  }
0xc6: {  	v14 =	vmov s21;
	v12 =	vnsel vm0, $0x0, v12;
	v8 =	vld.idx.msk [tilespmem:v8+s4+$0x0], $0xffff  }
0xc7: {  	s21 =	sadd.s32 $0x50, s19;
	vm0 =	vlt.s32 v14, v5;
	v15 =	vld [tilespmem:s18+$0xFFFFFFC0];
	v11 =	vadd.f32 v12, v11  }
0xc8: {  	v12 =	vnsel vm0, $0x0, v13;
	v13 =	vmov s21;
	v9 =	vld.idx.msk [tilespmem:v9+s4+$0x0], $0xffff  }
0xc9: {  	s21 =	sadd.s32 $0x60, s19;
	vm0 =	vlt.s32 v13, v5;
	v18 =	vld [tilespmem:s18+$0xFFFFFFD0];
	v11 =	vadd.f32 v12, v11  }
0xca: {  	v13 =	vmov s21;
	v12 =	vnsel vm0, $0x0, v10;
	v7 =	vld.idx.msk [tilespmem:v7+s4+$0x0], $0xffff  }
0xcb: {  	s21 =	sadd.s32 $0x70, s19;
	vm0 =	vlt.s32 v13, v5;
	v10 =	vld [tilespmem:s18+$0xFFFFFFE0];
	v11 =	vadd.f32 v12, v11  }
0xcc: {  	v14 =	vmov s21;
	v12 =	vnsel vm0, $0x0, v8;
	v13 =	vld.idx.msk [tilespmem:v17+s4+$0x0], $0xffff  }
0xcd: {  	s19 =	sadd.s32 $0x80, s19;
	vm0 =	vlt.s32 v14, v5;
	v8 =	vld [tilespmem:s18+$0xFFFFFFF0];
	v12 =	vadd.f32 v12, v11  }
.Ltmp9:
0xce: {  	v14 =	vmov s19;
	v11 =	vld.idx.msk [tilespmem:v16+s4+$0x0], $0xffff;
	v16 =	vnsel vm0, $0x0, v9;
	(pc) =	sbr.rel @p2 .LBB2_13-.Ltmp9, $4  }
0xcf: {  	s21 =	sadd.s32 $0x10, s19;
	vm0 =	vlt.s32 v14, v5;
	v9 =	vld [tilespmem:s18+$0x0];
	v14 =	vadd.f32 v16, v12  }
0xd0: {  	v17 =	vmov s21;
	v16 =	vnsel vm0, $0x0, v7;
	s18 =	sadd.s32 $0x200, s18;
	v12 =	vld.idx.msk [tilespmem:v15+s4+$0x0], $0xffff  }
0xd1: {  	s21 =	sadd.s32 $0x20, s19;
	vm0 =	vlt.s32 v17, v5;
	v7 =	vld [tilespmem:s18+$0xFFFFFF90];
	v14 =	vadd.f32 v16, v14  }
0xd2: {  	s20 =	sadd.s32 $0xFFFFFFFF, s20;
	v15 =	vnsel vm0, $0x0, v13;
	v16 =	vmov s21;
	v13 =	vld.idx.msk [tilespmem:v18+s4+$0x0], $0xffff  }
.LBB2_14:
0xd3: {  	_ =	sdelay $0x1  }
0xd4: {  	v14 =	vadd.f32 @p1 v15, v14;
	vm0 =	vlt.s32 @p1 v16, v5;
	s20 =	sadd.s32 @p1 $0x30, s19  }
0xd5: {  	v11 =	vnsel @p1 vm0, $0x0, v11;
	v15 =	vmov @p1 s20  }
0xd6: {  	v10 =	vld.idx.msk @p1 [tilespmem:v10+s4+$0x0], $0xffff;
	s20 =	sadd.s32 @p1 $0x40, s19;
	v11 =	vadd.f32 @p1 v11, v14;
	vm0 =	vlt.s32 @p1 v15, v5  }
0xd7: {  	v42 =	vld [tilespmem:s18+$0xFFFFFFA0];
	v15 =	vmov @p1 s20;
	v12 =	vnsel @p1 vm0, $0x0, v12  }
0xd8: {  	v8 =	vld.idx.msk @p1 [tilespmem:v8+s4+$0x0], $0xffff;
	s20 =	sadd.s32 @p1 $0x50, s19;
	vm0 =	vlt.s32 @p1 v15, v5;
	v11 =	vadd.f32 @p1 v12, v11  }
0xd9: {  	v43 =	vld [tilespmem:s18+$0xFFFFFFB0];
	v15 =	vmov @p1 s20;
	v13 =	vnsel @p1 vm0, $0x0, v13  }
0xda: {  	v9 =	vld.idx.msk @p1 [tilespmem:v9+s4+$0x0], $0xffff;
	s20 =	sadd.s32 @p1 $0x60, s19;
	vm0 =	vlt.s32 @p1 v15, v5;
	v11 =	vadd.f32 @p1 v13, v11  }
0xdb: {  	v44 =	vld [tilespmem:s18+$0xFFFFFFC0];
	v15 =	vmov @p1 s20;
	v10 =	vnsel @p1 vm0, $0x0, v10  }
0xdc: {  	v45 =	vld [tilespmem:s18+$0xFFFFFFD0];
	s20 =	sadd.s32 @p1 $0x70, s19;
	vm0 =	vlt.s32 @p1 v15, v5;
	v10 =	vadd.f32 @p1 v10, v11  }
0xdd: {  	v7 =	vld.idx.msk [tilespmem:v7+s4+$0x0], $0xffff;
	v8 =	vnsel @p1 vm0, $0x0, v8;
	v11 =	vmov @p1 s20  }
0xde: {  	v46 =	vld [tilespmem:s18+$0xFFFFFFE0];
	s19 =	sadd.s32 @p1 $0x80, s19;
	vm0 =	vlt.s32 @p1 v11, v5;
	v8 =	vadd.f32 @p1 v8, v10  }
0xdf: {  	s17 =	smov.u32 @p1 s19;
	v47 =	vld.idx.msk [tilespmem:v42+s4+$0x0], $0xffff;
	v9 =	vnsel @p1 vm0, $0x0, v9  }
0xe0: {  	v48 =	vld [tilespmem:s18+$0xFFFFFFF0];
	v49 =	vmov s17;
	v8 =	vadd.f32 @p1 v9, v8  }
0xe1: {  	s19 =	sadd.s32 $0x10, s17;
	vm8 =	vlt.s32 v49, v5;
	v50 =	vld.idx.msk [tilespmem:v43+s4+$0x0], $0xffff  }
0xe2: {  	v51 =	vld [tilespmem:s18+$0x0];
	v52 =	vmov s19;
	v7 =	vnsel vm8, $0x0, v7;
	v6 =	vpsel p1, v8, v6  }
0xe3: {  	s26 =	sadd.s32 $0x20, s17;
	v53 =	vld.idx.msk [tilespmem:v44+s4+$0x0], $0xffff;
	vm9 =	vlt.s32 v52, v5;
	v6 =	vadd.f32 v7, v6  }
0xe4: {  	v54 =	vmov s26;
	v7 =	vnsel vm9, $0x0, v47  }
0xe5: {  	s28 =	sadd.s32 $0x30, s17;
	v55 =	vld.idx.msk [tilespmem:v45+s4+$0x0], $0xffff;
	vm10 =	vlt.s32 v54, v5;
	v6 =	vadd.f32 v7, v6  }
0xe6: {  	v56 =	vmov s28;
	v7 =	vnsel vm10, $0x0, v50  }
0xe7: {  	s29 =	sadd.s32 $0x40, s17;
	v57 =	vld.idx.msk [tilespmem:v46+s4+$0x0], $0xffff;
	vm11 =	vlt.s32 v56, v5;
	v6 =	vadd.f32 v7, v6  }
0xe8: {  	v58 =	vmov s29;
	v7 =	vnsel vm11, $0x0, v53  }
0xe9: {  	s30 =	sadd.s32 $0x50, s17;
	v59 =	vld.idx.msk [tilespmem:v48+s4+$0x0], $0xffff;
	vm12 =	vlt.s32 v58, v5;
	v6 =	vadd.f32 v7, v6  }
0xea: {  	v60 =	vmov s30;
	v7 =	vnsel vm12, $0x0, v55  }
0xeb: {  	s31 =	sadd.s32 $0x60, s17;
	v61 =	vld.idx.msk [tilespmem:v51+s4+$0x0], $0xffff;
	vm13 =	vlt.s32 v60, v5;
	v6 =	vadd.f32 v7, v6  }
0xec: {  	v62 =	vmov s31;
	v7 =	vnsel vm13, $0x0, v57  }
0xed: {  	s17 =	sadd.s32 $0x70, s17;
	vm14 =	vlt.s32 v62, v5;
	v6 =	vadd.f32 v7, v6  }
0xee: {  	v63 =	vmov s17;
	v7 =	vnsel vm14, $0x0, v59  }
0xef: {  	vm15 =	vlt.s32 v63, v5;
	v6 =	vadd.f32 v7, v6  }
0xf0: {  	v5 =	vnsel vm15, $0x0, v61  }
0xf1: {  	v5 =	vadd.f32 v5, v6  }
.LBB2_15:
0xf2: {  	_ =	sdelay $0x2  }
0xf3: {  	[tilespmem:$0x9E00] =	vst v5  }
0xf4: {  	v5 =	vld.idx.msk [tilespmem:v2+s11+$0x0], $0xffff;
	_ =	sdelay $0x4  }
0xf5: {  	(v2sf) =	vpush v5, $0x0;
	_ =	sdelay $0xe  }
0xf6: {  	s17 =	spop (v2sf)  }
0xf7: {  	p1 =	sgt.s32 s17, $0x1  }
0xf8: {  	s17 =	simm.s32 @!p1 $0x1  }
0xf9: {  	s18 =	sadd.s32 $0x7F, s17  }
0xfa: {  	s19 =	sand.u32 $0x7F, s18  }
0xfb: {  	s31 =	sshra.s32 s18, $0x1F;
	p2 =	slt.s32 s18, $0x0;
	p6 =	sne.s32 s19, $0x0  }
0xfc: {  	s19 =	sshrl.u32 s31, $0x19;
	p1 =	por !p2, !p6  }
0xfd: {  	s18 =	sadd.s32 s19, s18;
	s19 =	simm.s32 $0x1;
	p1 =	por !p1, !p1  }
0xfe: {  	s18 =	sshra.s32 s18, $0x7;
	s19 =	simm.s32 @!p1 $0x0  }
0xff: {  	s19 =	ssub.s32 s18, s19  }
0x100: {  	p1 =	slt.s32 s19, $0x1  }
.Ltmp10:
0x101: {  	_ = 	snop;
	(pc) =	sbr.rel @p1 .LBB2_22-.Ltmp10, $2  }
0x102: {  	_ =	sdelay $0x2  }
0x103: {  	v6 =	vimm.f32 $0.0e+00;
	v5 =	vimm.f32 $0.0e+00  }
0x104: {  	p2 =	sne.s32 s19, $0x1  }
.Ltmp11:
0x105: {  	_ = 	snop;
	(pc) =	sbr.rel @!p2 .LBB2_17-.Ltmp11, $3  }
0x106: {  	_ =	sdelay $0x1  }
0x107: {  	s18 =	simm.s32 $0x7E70  }
0x108: {  	v6 =	vadd.s32 s17, v4;
	v7 =	vimm.f32 $0.0e+00;
	s17 =	simm.s32 $0x0;
	s19 =	sadd.s32 $0xFFFFFFFF, s19;
	p1 =	por $0x0, $0x0;
	v8 =	vld [tilespmem:s18+$0xFFFFFF90]  }
0x109: {  	_ = 	snop  }
0x10a: {  	v9 =	vld [tilespmem:s18+$0xFFFFFFA0];
	_ =	sdelay $0x1  }
0x10b: {  	v10 =	vld [tilespmem:s18+$0xFFFFFFB0];
	_ =	sdelay $0x1  }
0x10c: {  	v13 =	vld [tilespmem:s18+$0xFFFFFFC0]  }
0x10d: {  	v14 =	vld [tilespmem:s18+$0xFFFFFFD0]  }
0x10e: {  	v11 =	vld [tilespmem:s18+$0xFFFFFFE0]  }
0x10f: {  	v8 =	vld.idx.msk [tilespmem:v8+s4+$0x0], $0xffff  }
0x110: {  	v16 =	vld.idx.msk [tilespmem:v9+s4+$0x0], $0xffff  }
0x111: {  	p2 =	sne.s32 s19, $0x1;
	v9 =	vld [tilespmem:s18+$0xFFFFFFF0]  }
.Ltmp12:
0x112: {  	v15 =	vmov s17;
	v12 =	vld.idx.msk [tilespmem:v10+s4+$0x0], $0xffff;
	(pc) =	sbr.rel @!p2 .LBB2_19-.Ltmp12, $4  }
0x113: {  	s20 =	simm.s32 $0x10;
	vm0 =	vlt.s32 v15, v6;
	v10 =	vld [tilespmem:s18+$0x0]  }
0x114: {  	v15 =	vmov s20;
	v13 =	vld.idx.msk [tilespmem:v13+s4+$0x0], $0xffff;
	v17 =	vnsel vm0, $0x0, v8  }
0x115: {  	s21 =	simm.s32 $0x20;
	vm15 =	vlt.s32 v15, v6;
	s18 =	simm.s32 $0x8070;
	v14 =	vld.idx.msk [tilespmem:v14+s4+$0x0], $0xffff;
	v15 =	vadd.f32 v17, v7  }
0x116: {  	p1 =	por $0x1, $0x1;
	s20 =	sadd.s32 $0xFFFFFFFF, s19;
	s19 =	simm.s32 $0x0;
	v8 =	vld [tilespmem:s18+$0xFFFFFF90];
	v17 =	vmov s21;
	v16 =	vnsel vm15, $0x0, v16  }
.LBB2_20:
0x117: {  	p2 =	sne.s32 s20, $0x1;
	v18 =	vld [tilespmem:s18+$0xFFFFFFA0];
	v15 =	vadd.f32 v16, v15;
	vm0 =	vlt.s32 v17, v6;
	s21 =	sadd.s32 $0x30, s19  }
0x118: {  	v12 =	vnsel vm0, $0x0, v12;
	v16 =	vmov s21;
	v11 =	vld.idx.msk [tilespmem:v11+s4+$0x0], $0xffff  }
0x119: {  	s21 =	sadd.s32 $0x40, s19;
	v17 =	vld [tilespmem:s18+$0xFFFFFFB0];
	v12 =	vadd.f32 v12, v15;
	vm0 =	vlt.s32 v16, v6  }
0x11a: {  	v15 =	vmov s21;
	v13 =	vnsel vm0, $0x0, v13;
	v9 =	vld.idx.msk [tilespmem:v9+s4+$0x0], $0xffff  }
0x11b: {  	s21 =	sadd.s32 $0x50, s19;
	vm0 =	vlt.s32 v15, v6;
	v16 =	vld [tilespmem:s18+$0xFFFFFFC0];
	v12 =	vadd.f32 v13, v12  }
0x11c: {  	v13 =	vnsel vm0, $0x0, v14;
	v14 =	vmov s21;
	v10 =	vld.idx.msk [tilespmem:v10+s4+$0x0], $0xffff  }
0x11d: {  	s21 =	sadd.s32 $0x60, s19;
	vm0 =	vlt.s32 v14, v6;
	v19 =	vld [tilespmem:s18+$0xFFFFFFD0];
	v12 =	vadd.f32 v13, v12  }
0x11e: {  	v14 =	vmov s21;
	v13 =	vnsel vm0, $0x0, v11;
	v8 =	vld.idx.msk [tilespmem:v8+s4+$0x0], $0xffff  }
0x11f: {  	s21 =	sadd.s32 $0x70, s19;
	vm0 =	vlt.s32 v14, v6;
	v11 =	vld [tilespmem:s18+$0xFFFFFFE0];
	v12 =	vadd.f32 v13, v12  }
0x120: {  	v15 =	vmov s21;
	v13 =	vnsel vm0, $0x0, v9;
	v14 =	vld.idx.msk [tilespmem:v18+s4+$0x0], $0xffff  }
0x121: {  	s19 =	sadd.s32 $0x80, s19;
	vm0 =	vlt.s32 v15, v6;
	v9 =	vld [tilespmem:s18+$0xFFFFFFF0];
	v13 =	vadd.f32 v13, v12  }
.Ltmp13:
0x122: {  	v15 =	vmov s19;
	v12 =	vld.idx.msk [tilespmem:v17+s4+$0x0], $0xffff;
	v17 =	vnsel vm0, $0x0, v10;
	(pc) =	sbr.rel @p2 .LBB2_20-.Ltmp13, $4  }
0x123: {  	s21 =	sadd.s32 $0x10, s19;
	vm0 =	vlt.s32 v15, v6;
	v10 =	vld [tilespmem:s18+$0x0];
	v15 =	vadd.f32 v17, v13  }
0x124: {  	v18 =	vmov s21;
	v17 =	vnsel vm0, $0x0, v8;
	s18 =	sadd.s32 $0x200, s18;
	v13 =	vld.idx.msk [tilespmem:v16+s4+$0x0], $0xffff  }
0x125: {  	s21 =	sadd.s32 $0x20, s19;
	vm0 =	vlt.s32 v18, v6;
	v8 =	vld [tilespmem:s18+$0xFFFFFF90];
	v15 =	vadd.f32 v17, v15  }
0x126: {  	s20 =	sadd.s32 $0xFFFFFFFF, s20;
	v16 =	vnsel vm0, $0x0, v14;
	v17 =	vmov s21;
	v14 =	vld.idx.msk [tilespmem:v19+s4+$0x0], $0xffff  }
.LBB2_21:
0x127: {  	_ =	sdelay $0x1  }
0x128: {  	v15 =	vadd.f32 @p1 v16, v15;
	vm0 =	vlt.s32 @p1 v17, v6;
	s20 =	sadd.s32 @p1 $0x30, s19  }
0x129: {  	v12 =	vnsel @p1 vm0, $0x0, v12;
	v16 =	vmov @p1 s20  }
0x12a: {  	v11 =	vld.idx.msk @p1 [tilespmem:v11+s4+$0x0], $0xffff;
	s20 =	sadd.s32 @p1 $0x40, s19;
	v12 =	vadd.f32 @p1 v12, v15;
	vm0 =	vlt.s32 @p1 v16, v6  }
0x12b: {  	v42 =	vld [tilespmem:s18+$0xFFFFFFA0];
	v16 =	vmov @p1 s20;
	v13 =	vnsel @p1 vm0, $0x0, v13  }
0x12c: {  	v9 =	vld.idx.msk @p1 [tilespmem:v9+s4+$0x0], $0xffff;
	s20 =	sadd.s32 @p1 $0x50, s19;
	vm0 =	vlt.s32 @p1 v16, v6;
	v12 =	vadd.f32 @p1 v13, v12  }
0x12d: {  	v43 =	vld [tilespmem:s18+$0xFFFFFFB0];
	v16 =	vmov @p1 s20;
	v14 =	vnsel @p1 vm0, $0x0, v14  }
0x12e: {  	v10 =	vld.idx.msk @p1 [tilespmem:v10+s4+$0x0], $0xffff;
	s20 =	sadd.s32 @p1 $0x60, s19;
	vm0 =	vlt.s32 @p1 v16, v6;
	v12 =	vadd.f32 @p1 v14, v12  }
0x12f: {  	v44 =	vld [tilespmem:s18+$0xFFFFFFC0];
	v16 =	vmov @p1 s20;
	v11 =	vnsel @p1 vm0, $0x0, v11  }
0x130: {  	v45 =	vld [tilespmem:s18+$0xFFFFFFD0];
	s20 =	sadd.s32 @p1 $0x70, s19;
	vm0 =	vlt.s32 @p1 v16, v6;
	v11 =	vadd.f32 @p1 v11, v12  }
0x131: {  	v8 =	vld.idx.msk [tilespmem:v8+s4+$0x0], $0xffff;
	v9 =	vnsel @p1 vm0, $0x0, v9;
	v12 =	vmov @p1 s20  }
0x132: {  	v46 =	vld [tilespmem:s18+$0xFFFFFFE0];
	s19 =	sadd.s32 @p1 $0x80, s19;
	vm0 =	vlt.s32 @p1 v12, v6;
	v9 =	vadd.f32 @p1 v9, v11  }
0x133: {  	s17 =	smov.u32 @p1 s19;
	v47 =	vld.idx.msk [tilespmem:v42+s4+$0x0], $0xffff;
	v10 =	vnsel @p1 vm0, $0x0, v10  }
0x134: {  	v48 =	vld [tilespmem:s18+$0xFFFFFFF0];
	v49 =	vmov s17;
	v9 =	vadd.f32 @p1 v10, v9  }
0x135: {  	s19 =	sadd.s32 $0x10, s17;
	vm8 =	vlt.s32 v49, v6;
	v50 =	vld.idx.msk [tilespmem:v43+s4+$0x0], $0xffff  }
0x136: {  	v51 =	vld [tilespmem:s18+$0x0];
	v52 =	vmov s19;
	v8 =	vnsel vm8, $0x0, v8;
	v7 =	vpsel p1, v9, v7  }
0x137: {  	s26 =	sadd.s32 $0x20, s17;
	v53 =	vld.idx.msk [tilespmem:v44+s4+$0x0], $0xffff;
	vm9 =	vlt.s32 v52, v6;
	v7 =	vadd.f32 v8, v7  }
0x138: {  	v54 =	vmov s26;
	v8 =	vnsel vm9, $0x0, v47  }
0x139: {  	s28 =	sadd.s32 $0x30, s17;
	v55 =	vld.idx.msk [tilespmem:v45+s4+$0x0], $0xffff;
	vm10 =	vlt.s32 v54, v6;
	v7 =	vadd.f32 v8, v7  }
0x13a: {  	v56 =	vmov s28;
	v8 =	vnsel vm10, $0x0, v50  }
0x13b: {  	s29 =	sadd.s32 $0x40, s17;
	v57 =	vld.idx.msk [tilespmem:v46+s4+$0x0], $0xffff;
	vm11 =	vlt.s32 v56, v6;
	v7 =	vadd.f32 v8, v7  }
0x13c: {  	v58 =	vmov s29;
	v8 =	vnsel vm11, $0x0, v53  }
0x13d: {  	s30 =	sadd.s32 $0x50, s17;
	v59 =	vld.idx.msk [tilespmem:v48+s4+$0x0], $0xffff;
	vm12 =	vlt.s32 v58, v6;
	v7 =	vadd.f32 v8, v7  }
0x13e: {  	v60 =	vmov s30;
	v8 =	vnsel vm12, $0x0, v55  }
0x13f: {  	s31 =	sadd.s32 $0x60, s17;
	v61 =	vld.idx.msk [tilespmem:v51+s4+$0x0], $0xffff;
	vm13 =	vlt.s32 v60, v6;
	v7 =	vadd.f32 v8, v7  }
0x140: {  	v62 =	vmov s31;
	v8 =	vnsel vm13, $0x0, v57  }
0x141: {  	s17 =	sadd.s32 $0x70, s17;
	vm14 =	vlt.s32 v62, v6;
	v7 =	vadd.f32 v8, v7  }
0x142: {  	v63 =	vmov s17;
	v8 =	vnsel vm14, $0x0, v59  }
0x143: {  	vm15 =	vlt.s32 v63, v6;
	v7 =	vadd.f32 v8, v7  }
0x144: {  	v6 =	vnsel vm15, $0x0, v61  }
0x145: {  	v6 =	vadd.f32 v6, v7  }
.LBB2_22:
0x146: {  	_ =	sdelay $0x2  }
0x147: {  	[tilespmem:$0x9E80] =	vst v6  }
0x148: {  	v6 =	vld.idx.msk [tilespmem:v3+s11+$0x0], $0xffff;
	_ =	sdelay $0x4  }
0x149: {  	(v2sf) =	vpush v6, $0x0;
	_ =	sdelay $0xe  }
0x14a: {  	s17 =	spop (v2sf)  }
0x14b: {  	p1 =	sgt.s32 s17, $0x1  }
0x14c: {  	s17 =	simm.s32 @!p1 $0x1  }
0x14d: {  	s18 =	sadd.s32 $0x7F, s17  }
0x14e: {  	s19 =	sand.u32 $0x7F, s18  }
0x14f: {  	s31 =	sshra.s32 s18, $0x1F;
	p2 =	slt.s32 s18, $0x0;
	p6 =	sne.s32 s19, $0x0  }
0x150: {  	s19 =	sshrl.u32 s31, $0x19;
	p1 =	por !p2, !p6  }
0x151: {  	s18 =	sadd.s32 s19, s18;
	s19 =	simm.s32 $0x1;
	p1 =	por !p1, !p1  }
0x152: {  	s18 =	sshra.s32 s18, $0x7;
	s19 =	simm.s32 @!p1 $0x0  }
0x153: {  	s19 =	ssub.s32 s18, s19  }
0x154: {  	p1 =	slt.s32 s19, $0x1  }
.Ltmp14:
0x155: {  	_ = 	snop;
	(pc) =	sbr.rel @p1 .LBB2_29-.Ltmp14, $1  }
0x156: {  	_ =	sdelay $0x3  }
0x157: {  	p2 =	sne.s32 s19, $0x1  }
.Ltmp15:
0x158: {  	_ = 	snop;
	(pc) =	sbr.rel @!p2 .LBB2_24-.Ltmp15, $3  }
0x159: {  	_ =	sdelay $0x1  }
0x15a: {  	s18 =	simm.s32 $0x7EF0  }
0x15b: {  	v5 =	vadd.s32 s17, v4;
	v6 =	vimm.f32 $0.0e+00;
	s17 =	simm.s32 $0x0;
	s19 =	sadd.s32 $0xFFFFFFFF, s19;
	p1 =	por $0x0, $0x0;
	v7 =	vld [tilespmem:s18+$0xFFFFFF90]  }
0x15c: {  	_ = 	snop  }
0x15d: {  	v8 =	vld [tilespmem:s18+$0xFFFFFFA0];
	_ =	sdelay $0x1  }
0x15e: {  	v9 =	vld [tilespmem:s18+$0xFFFFFFB0];
	_ =	sdelay $0x1  }
0x15f: {  	v12 =	vld [tilespmem:s18+$0xFFFFFFC0]  }
0x160: {  	v13 =	vld [tilespmem:s18+$0xFFFFFFD0]  }
0x161: {  	v10 =	vld [tilespmem:s18+$0xFFFFFFE0]  }
0x162: {  	v7 =	vld.idx.msk [tilespmem:v7+s4+$0x0], $0xffff  }
0x163: {  	v15 =	vld.idx.msk [tilespmem:v8+s4+$0x0], $0xffff  }
0x164: {  	p2 =	sne.s32 s19, $0x1;
	v8 =	vld [tilespmem:s18+$0xFFFFFFF0]  }
.Ltmp16:
0x165: {  	v14 =	vmov s17;
	v11 =	vld.idx.msk [tilespmem:v9+s4+$0x0], $0xffff;
	(pc) =	sbr.rel @!p2 .LBB2_26-.Ltmp16, $4  }
0x166: {  	s20 =	simm.s32 $0x10;
	vm0 =	vlt.s32 v14, v5;
	v9 =	vld [tilespmem:s18+$0x0]  }
0x167: {  	v14 =	vmov s20;
	v12 =	vld.idx.msk [tilespmem:v12+s4+$0x0], $0xffff;
	v16 =	vnsel vm0, $0x0, v7  }
0x168: {  	s21 =	simm.s32 $0x20;
	vm15 =	vlt.s32 v14, v5;
	s18 =	simm.s32 $0x80F0;
	v13 =	vld.idx.msk [tilespmem:v13+s4+$0x0], $0xffff;
	v14 =	vadd.f32 v16, v6  }
0x169: {  	p1 =	por $0x1, $0x1;
	s20 =	sadd.s32 $0xFFFFFFFF, s19;
	s19 =	simm.s32 $0x0;
	v7 =	vld [tilespmem:s18+$0xFFFFFF90];
	v16 =	vmov s21;
	v15 =	vnsel vm15, $0x0, v15  }
.LBB2_27:
0x16a: {  	p2 =	sne.s32 s20, $0x1;
	v17 =	vld [tilespmem:s18+$0xFFFFFFA0];
	v14 =	vadd.f32 v15, v14;
	vm0 =	vlt.s32 v16, v5;
	s21 =	sadd.s32 $0x30, s19  }
0x16b: {  	v11 =	vnsel vm0, $0x0, v11;
	v15 =	vmov s21;
	v10 =	vld.idx.msk [tilespmem:v10+s4+$0x0], $0xffff  }
0x16c: {  	s21 =	sadd.s32 $0x40, s19;
	v16 =	vld [tilespmem:s18+$0xFFFFFFB0];
	v11 =	vadd.f32 v11, v14;
	vm0 =	vlt.s32 v15, v5  }
0x16d: {  	v14 =	vmov s21;
	v12 =	vnsel vm0, $0x0, v12;
	v8 =	vld.idx.msk [tilespmem:v8+s4+$0x0], $0xffff  }
0x16e: {  	s21 =	sadd.s32 $0x50, s19;
	vm0 =	vlt.s32 v14, v5;
	v15 =	vld [tilespmem:s18+$0xFFFFFFC0];
	v11 =	vadd.f32 v12, v11  }
0x16f: {  	v12 =	vnsel vm0, $0x0, v13;
	v13 =	vmov s21;
	v9 =	vld.idx.msk [tilespmem:v9+s4+$0x0], $0xffff  }
0x170: {  	s21 =	sadd.s32 $0x60, s19;
	vm0 =	vlt.s32 v13, v5;
	v18 =	vld [tilespmem:s18+$0xFFFFFFD0];
	v11 =	vadd.f32 v12, v11  }
0x171: {  	v13 =	vmov s21;
	v12 =	vnsel vm0, $0x0, v10;
	v7 =	vld.idx.msk [tilespmem:v7+s4+$0x0], $0xffff  }
0x172: {  	s21 =	sadd.s32 $0x70, s19;
	vm0 =	vlt.s32 v13, v5;
	v10 =	vld [tilespmem:s18+$0xFFFFFFE0];
	v11 =	vadd.f32 v12, v11  }
0x173: {  	v14 =	vmov s21;
	v12 =	vnsel vm0, $0x0, v8;
	v13 =	vld.idx.msk [tilespmem:v17+s4+$0x0], $0xffff  }
0x174: {  	s19 =	sadd.s32 $0x80, s19;
	vm0 =	vlt.s32 v14, v5;
	v8 =	vld [tilespmem:s18+$0xFFFFFFF0];
	v12 =	vadd.f32 v12, v11  }
.Ltmp17:
0x175: {  	v14 =	vmov s19;
	v11 =	vld.idx.msk [tilespmem:v16+s4+$0x0], $0xffff;
	v16 =	vnsel vm0, $0x0, v9;
	(pc) =	sbr.rel @p2 .LBB2_27-.Ltmp17, $4  }
0x176: {  	s21 =	sadd.s32 $0x10, s19;
	vm0 =	vlt.s32 v14, v5;
	v9 =	vld [tilespmem:s18+$0x0];
	v14 =	vadd.f32 v16, v12  }
0x177: {  	v17 =	vmov s21;
	v16 =	vnsel vm0, $0x0, v7;
	s18 =	sadd.s32 $0x200, s18;
	v12 =	vld.idx.msk [tilespmem:v15+s4+$0x0], $0xffff  }
0x178: {  	s21 =	sadd.s32 $0x20, s19;
	vm0 =	vlt.s32 v17, v5;
	v7 =	vld [tilespmem:s18+$0xFFFFFF90];
	v14 =	vadd.f32 v16, v14  }
0x179: {  	s20 =	sadd.s32 $0xFFFFFFFF, s20;
	v15 =	vnsel vm0, $0x0, v13;
	v16 =	vmov s21;
	v13 =	vld.idx.msk [tilespmem:v18+s4+$0x0], $0xffff  }
.Ltmp18:
0x17a: {  	_ = 	snop;
	(pc) =	sbr.rel .LBB2_28-.Ltmp18, $1  }
0x17b: {  	_ =	sdelay $0x3  }
.LBB2_3:
.Ltmp19:
0x17c: {  	(pc) =	sbr.rel .LBB2_7-.Ltmp19, $2  }
0x17d: {  	_ =	sdelay $0x2  }
0x17e: {  	s19 =	simm.s32 $0x0  }
.LBB2_10:
.Ltmp20:
0x17f: {  	(pc) =	sbr.rel .LBB2_14-.Ltmp20, $2  }
0x180: {  	_ =	sdelay $0x2  }
0x181: {  	s19 =	simm.s32 $0x0  }
.LBB2_17:
.Ltmp21:
0x182: {  	(pc) =	sbr.rel .LBB2_21-.Ltmp21, $2  }
0x183: {  	_ =	sdelay $0x2  }
0x184: {  	s19 =	simm.s32 $0x0  }
.LBB2_5:
.Ltmp22:
0x185: {  	(pc) =	sbr.rel .LBB2_7-.Ltmp22, $2  }
0x186: {  	_ =	sdelay $0x2  }
0x187: {  	s19 =	simm.s32 $0x0  }
.LBB2_12:
.Ltmp23:
0x188: {  	(pc) =	sbr.rel .LBB2_14-.Ltmp23, $2  }
0x189: {  	_ =	sdelay $0x2  }
0x18a: {  	s19 =	simm.s32 $0x0  }
.LBB2_19:
.Ltmp24:
0x18b: {  	(pc) =	sbr.rel .LBB2_21-.Ltmp24, $2  }
0x18c: {  	_ =	sdelay $0x2  }
0x18d: {  	s19 =	simm.s32 $0x0  }
.LBB2_26:
.Ltmp25:
0x18e: {  	(pc) =	sbr.rel .LBB2_28-.Ltmp25, $2  }
0x18f: {  	_ =	sdelay $0x2  }
0x190: {  	s19 =	simm.s32 $0x0  }
.LBB2_30:
0x191: {  	_ =	sfence.sel $0x180000  }
0x192: {  	[bflag:$0x0] =	sbarrier.arrive $0xFFFF  }
0x193: {  	_ =	strace $0x90000047  }
0x194: {  	s0 =	sadd.s32 @!p0 $0x100000, s0;
	[bflag:$0x2] =	sbarrier.arrive $0xFFFF  }
0x195: {  	[sflag:s0] =	ssyncadd.tile.s32 @!p0 $0x1;
	_ =	shalt  }
.Lfunc_end2:
_tile_overlayer_lowered:
.L_overlay_start_2:
0x196: {  	(tag) =	ssettag $0x2  }
0x197: {  	s0 =	rddreg [dreg:$0x0];
	s2 =	stileid.u32  }
0x198: {  	s1 =	rddreg [dreg:$0x1];
	p0 =	sne.s32 s2, $0x0  }
0x199: {  	s3 =	rddreg [dreg:$0x2];
	[bflag:$0x3] =	sbarrier.arrive $0xFFFF;
	s2 =	simm.s32 @!p0 $0x1C02  }
0x19a: {  	[timem:s3], [sflag:s2] =	dma.local @!p0 [hbm:s0], s1  }
0x19b: {  	s0 =	simm.s32 @!p0 $0x2  }
0x19c: {  	_ =	swait.ge @!p0 [sflag:s0], s1  }
0x19d: {  	s1 =	ssub.s32 @!p0 $0x0, s1;
	[sflag:s0] =	ssyncset.done @!p0 $0x0  }
0x19e: {  	[sflag:s0] =	ssyncadd.s32 @!p0 s1  }
0x19f: {  	[bflag:$0x3] =	sbarrier.arrive $0xFFFF  }
0x1a0: {  	_ =	shalt  }

</sc_bundles>
